<compile_context>
chip_gen: v7x
topology: tpu7x:2x2x1
jax: 0.10.2.dev20260603
libtpu: 0.0.44.dev20260713+nightly
codegen_flags: <defaults>
</compile_context>

<pallas_src>
import functools

import numpy as np
import jax
import jax.numpy as jnp
from jax import lax
from jax.experimental import pallas as pl
from jax.experimental.pallas import tpu as pltpu
from jax.experimental.pallas import tpu_sc as plsc

_N = 10000
_E = 160000
_R = 16
_MU = np.linspace(0.0, 20.0, _R).astype(np.float32)
_INV_SIG = np.float32(_R / 20.0)

_NODE_PAIRS = [(1, 0), (1, 2), (1, 3), (0, 2), (0, 3), (3, 2)]
_EDGE_PAIRS = [(1, 1), (1, 2), (2, 1), (1, 0), (0, 1), (1, 3), (3, 1),
               (2, 2), (2, 0), (0, 2), (2, 3), (3, 2), (0, 0), (0, 3),
               (3, 0), (3, 3)]
_DXN_ATOMS = [1, 0, 2, 3]


def _mk(shape, entries):
    m = np.zeros(shape, np.float32)
    for r, c in entries:
        m[r, c] = 1.0
    return m


_R3 = range(3)
_PA = _mk((32, 48), [(3 * p + c, 3 * t + c)
                     for t, (p, q) in enumerate(_EDGE_PAIRS) for c in _R3])
_PB = _mk((16, 48), [(3 * q + c, 3 * t + c)
                     for t, (p, q) in enumerate(_EDGE_PAIRS) for c in _R3])
_PSUM = _mk((48, 16), [(3 * t + c, t) for t in range(16) for c in _R3])
_PDXSEL = -_mk((48, 12), [(3 * t + c, 3 * i + c)
                          for i, t in enumerate([4, 12, 9, 13]) for c in _R3])
_PQE = _mk((32, 36), [(12 + 3 * r + c, 9 * i + 3 * r + c)
                      for i in range(4) for r in _R3 for c in _R3])
_PDE = _mk((12, 36), [(3 * i + c, 9 * i + 3 * r + c)
                      for i in range(4) for r in _R3 for c in _R3])
_PSU = _mk((36, 16), [(9 * i + 3 * r + c, 3 * i + r)
                      for i in range(4) for r in _R3 for c in _R3])
_PNRM = _mk((16, 4), [(3 * i + c, i) for i in range(4) for c in _R3])
_PREP3 = _mk((4, 16), [(i, 3 * i + c) for i in range(4) for c in _R3])
_PREP16 = _mk((16, 256), [(t, 16 * t + k) for t in range(16) for k in range(16)])
_MUT16 = np.tile(_MU, 16).reshape(1, 256)

_NA = _mk((12, 18), [(3 * p + c, 3 * t + c)
                     for t, (p, q) in enumerate(_NODE_PAIRS) for c in _R3])
_NB = _mk((12, 18), [(3 * q + c, 3 * t + c)
                     for t, (p, q) in enumerate(_NODE_PAIRS) for c in _R3])
_NSUM = _mk((18, 6), [(3 * t + c, t) for t in range(6) for c in _R3])
_NREP = _mk((6, 96), [(t, 16 * t + k) for t in range(6) for k in range(16)])
_MUT6 = np.tile(_MU, 6).reshape(1, 96)
_DU0 = _mk((12, 3), [(3 + c, c) for c in _R3]) - _mk((12, 3), [(c, c) for c in _R3])
_DU1 = _mk((12, 3), [(6 + c, c) for c in _R3]) - _mk((12, 3), [(3 + c, c) for c in _R3])
_S1 = _mk((3, 3), [(1, 0), (2, 1), (0, 2)])
_S2 = _mk((3, 3), [(2, 0), (0, 1), (1, 2)])
_PB1 = _mk((3, 9), [(r, 3 * r) for r in _R3])
_PN9 = _mk((3, 9), [(r, 3 * r + 1) for r in _R3])
_PC9 = _mk((3, 9), [(r, 3 * r + 2) for r in _R3])
_E12T = _mk((12, 32), [(i, i) for i in range(12)])
_E9T = _mk((9, 32), [(j, 12 + j) for j in range(9)])
_E12X = _mk((12, 16), [(i, i) for i in range(12)])

_NODE_BLK = 2000
_EDGE_BLK = 2000

_CH = 128
_NROWS = _E // _CH
_NW = 32
_NJ = (_NROWS + _NW - 1) // _NW


_NODE_CONSTS = [_NA, _NB, _NSUM, _NREP, _MUT6, _DU0, _DU1, _S1, _S2,
                _PB1, _PN9, _PC9, _E12T, _E9T, _E12X]
_EDGE_CONSTS = [_PA, _PB, _PSUM, _PDXSEL, _PQE, _PDE, _PSU, _PNRM,
                _PREP3, _PREP16, _MUT16]


def _full_spec(arr):
    return pl.BlockSpec(arr.shape, lambda i: (0, 0))


def _hidot(a, b):
    return lax.dot_general(a, b, (((1,), (0,)), ((), ())),
                           precision=lax.Precision.HIGHEST,
                           preferred_element_type=jnp.float32)


def _dot(a, b):
    return jnp.dot(a, b, preferred_element_type=jnp.float32)


def _splitdot(a, b):
    hi = a.astype(jnp.bfloat16).astype(jnp.float32)
    return _dot(hi, b) + _dot(a - hi, b)


def _nrm3(v):
    n = jnp.sqrt(jnp.sum(v * v, axis=-1, keepdims=True))
    return v / jnp.where(n == 0.0, 1.0, n)


def _node_body(x_ref, wn_ref, bn_ref, g_ref, bb_ref,
               na_r, nb_r, nsum_r, nrep_r, mut6_r, du0_r, du1_r, s1_r, s2_r,
               pb1_r, pn9_r, pc9_r, e12t_r, e9t_r, e12x_r,
               hv_ref, ts_ref, tx_ref):
    s1 = s1_r[...]
    s2 = s2_r[...]

    def cross(a, b):
        return _dot(a, s1) * _dot(b, s2) - _dot(a, s2) * _dot(b, s1)

    X = x_ref[...]
    df = _splitdot(X, na_r[...]) - _splitdot(X, nb_r[...])
    d = jnp.sqrt(_splitdot(df * df, nsum_r[...]))
    dr = _splitdot(d, nrep_r[...])
    rb = jnp.exp(-(((dr - mut6_r[...]) * _INV_SIG) ** 2))
    z = jnp.dot(rb, wn_ref[...], preferred_element_type=jnp.float32) + bn_ref[...]
    mu = jnp.mean(z, axis=-1, keepdims=True)
    xc = z - mu
    sig = jnp.sqrt(jnp.sum(xc * xc, axis=-1, keepdims=True) * (1.0 / 127.0) + 1e-6)
    hv_ref[...] = g_ref[...] * xc / (sig + 1e-6) + bb_ref[...]

    u0 = _nrm3(_dot(X, du0_r[...]))
    u1 = _nrm3(_dot(X, du1_r[...]))
    n0 = _nrm3(cross(u0, u1))
    b1 = _nrm3(u0 - u1)
    cx = cross(b1, n0)
    q9 = (_dot(b1, pb1_r[...]) + _dot(n0, pn9_r[...])
          + _dot(cx, pc9_r[...]))
    gid = _NODE_BLK * pl.program_id(0) + lax.broadcasted_iota(
        jnp.int32, (_NODE_BLK, 1), 0)
    q9 = jnp.where(gid < _N - 1, q9, 0.0)
    ts_ref[...] = _splitdot(X, e12t_r[...]) + _dot(q9, e9t_r[...])
    tx_ref[...] = _splitdot(X, e12x_r[...])


def _node_call(x12, wn, bn, gn, bbn):
    f32 = jnp.float32
    return pl.pallas_call(
        _node_body,
        grid=(_N // _NODE_BLK,),
        in_specs=[
            pl.BlockSpec((_NODE_BLK, 12), lambda i: (i, 0)),
            pl.BlockSpec((96, 128), lambda i: (0, 0)),
            pl.BlockSpec((1, 128), lambda i: (0, 0)),
            pl.BlockSpec((1, 128), lambda i: (0, 0)),
            pl.BlockSpec((1, 128), lambda i: (0, 0)),
        ] + [_full_spec(c) for c in _NODE_CONSTS],
        out_specs=[
            pl.BlockSpec((_NODE_BLK, 128), lambda i: (i, 0)),
            pl.BlockSpec((_NODE_BLK, 32), lambda i: (i, 0)),
            pl.BlockSpec((_NODE_BLK, 16), lambda i: (i, 0)),
        ],
        out_shape=[
            jax.ShapeDtypeStruct((_N, 128), f32),
            jax.ShapeDtypeStruct((_N, 32), f32),
            jax.ShapeDtypeStruct((_N, 16), f32),
        ],
    )(x12, wn, bn, gn, bbn, *[jnp.asarray(c) for c in _NODE_CONSTS])


def _edge_body(s_ref, d_ref, wd_ref, wo_ref, be_ref, g_ref, bb_ref,
               pa_r, pb_r, psum_r, pdxsel_r, pqe_r, pde_r, psu_r,
               pnrm_r, prep3_r, prep16_r, mut16_r, o_ref):
    S = s_ref[...]
    Dt = d_ref[...]
    df = _splitdot(S, pa_r[...]) - _splitdot(Dt, pb_r[...])
    dist = jnp.sqrt(_splitdot(df * df, psum_r[...]) + 1e-6)
    dr = _splitdot(dist, prep16_r[...])
    rb = jnp.exp(-(((dr - mut16_r[...]) * _INV_SIG) ** 2))
    dxn = _dot(df, pdxsel_r[...])
    du = _dot(_dot(S, pqe_r[...]) * _dot(dxn, pde_r[...]), psu_r[...])
    n = jnp.sqrt(_dot(du * du, pnrm_r[...]))
    rinv = 1.0 / jnp.where(n == 0.0, 1.0, n)
    edir = du * _dot(rinv, prep3_r[...])
    z = (_dot(rb, wd_ref[...]) + _dot(edir, wo_ref[...]) + be_ref[...])
    mu = jnp.mean(z, axis=-1, keepdims=True)
    xc = z - mu
    sig = jnp.sqrt(jnp.sum(xc * xc, axis=-1, keepdims=True) * (1.0 / 255.0) + 1e-6)
    o_ref[...] = g_ref[...] * xc / (sig + 1e-6) + bb_ref[...]


def _edge_call(s_rows, d_rows, wd, wo, be, ge, bbe):
    return pl.pallas_call(
        _edge_body,
        grid=(_E // _EDGE_BLK,),
        in_specs=[
            pl.BlockSpec((_EDGE_BLK, 32), lambda i: (i, 0)),
            pl.BlockSpec((_EDGE_BLK, 16), lambda i: (i, 0)),
            pl.BlockSpec((256, 256), lambda i: (0, 0)),
            pl.BlockSpec((16, 256), lambda i: (0, 0)),
            pl.BlockSpec((1, 256), lambda i: (0, 0)),
            pl.BlockSpec((1, 256), lambda i: (0, 0)),
            pl.BlockSpec((1, 256), lambda i: (0, 0)),
        ] + [_full_spec(c) for c in _EDGE_CONSTS],
        out_specs=pl.BlockSpec((_EDGE_BLK, 256), lambda i: (i, 0)),
        out_shape=jax.ShapeDtypeStruct((_E, 256), jnp.float32),
    )(s_rows, d_rows, wd, wo, be, ge, bbe,
      *[jnp.asarray(c) for c in _EDGE_CONSTS])


def _sc_gather(ts, tx, ii_s, ii_d, ie_s, ie_d):
    f32 = jnp.float32
    mesh = plsc.VectorSubcoreMesh(core_axis_name="c", subcore_axis_name="s")
    out_type = [
        jax.ShapeDtypeStruct((_E, 32), f32),
        jax.ShapeDtypeStruct((_E, 16), f32),
        jax.ShapeDtypeStruct((_E, 32), f32),
        jax.ShapeDtypeStruct((_E, 16), f32),
    ]

    @functools.partial(
        pl.kernel,
        out_type=out_type,
        mesh=mesh,
        compiler_params=pltpu.CompilerParams(use_tc_tiling_on_sc=False),
        scratch_types=[
            pltpu.VMEM((_CH,), jnp.int32),
            pltpu.VMEM((_CH,), jnp.int32),
            pltpu.VMEM((_CH,), jnp.int32),
            pltpu.VMEM((_CH,), jnp.int32),
            pltpu.VMEM((_CH, 32), f32),
            pltpu.VMEM((_CH, 16), f32),
            pltpu.VMEM((_CH, 32), f32),
            pltpu.VMEM((_CH, 16), f32),
            pltpu.SemaphoreType.DMA,
        ],
    )
    def k(ts_h, tx_h, iis_h, iid_h, ies_h, ied_h,
          o_is, o_id, o_es, o_ed,
          ix_a, ix_b, ix_c, ix_d, row_a, row_b, row_c, row_d, sem):
        wid = lax.axis_index("s") * 2 + lax.axis_index("c")
        nj = jnp.maximum(0, jnp.minimum(_NJ, _NROWS - wid * _NJ))

        def body(j, carry):
            base = (wid * _NJ + j) * _CH
            sl = pl.ds(base, _CH)
            c1 = [pltpu.async_copy(iis_h.at[sl], ix_a, sem),
                  pltpu.async_copy(iid_h.at[sl], ix_b, sem),
                  pltpu.async_copy(ies_h.at[sl], ix_c, sem),
                  pltpu.async_copy(ied_h.at[sl], ix_d, sem)]
            for c in c1:
                c.wait()
            c2 = [pltpu.async_copy(ts_h.at[ix_a], row_a, sem),
                  pltpu.async_copy(tx_h.at[ix_b], row_b, sem),
                  pltpu.async_copy(ts_h.at[ix_c], row_c, sem),
                  pltpu.async_copy(tx_h.at[ix_d], row_d, sem)]
            for c in c2:
                c.wait()
            c3 = [pltpu.async_copy(row_a, o_is.at[sl], sem),
                  pltpu.async_copy(row_b, o_id.at[sl], sem),
                  pltpu.async_copy(row_c, o_es.at[sl], sem),
                  pltpu.async_copy(row_d, o_ed.at[sl], sem)]
            for c in c3:
                c.wait()
            return carry

        lax.fori_loop(0, nj, body, 0)

    return k(ts, tx, ii_s, ii_d, ie_s, ie_d)


def kernel(X, E_in_idx, E_ex_idx, W_node, b_node, W_edge, b_edge,
           gain_nodes, bias_nodes, gain_edges, bias_edges):
    f32 = jnp.float32
    x12 = X.reshape(_N, 12)
    h_V, ts, tx = _node_call(x12, W_node, b_node.reshape(1, -1),
                             gain_nodes.reshape(1, -1), bias_nodes.reshape(1, -1))
    g_is, g_id, g_es, g_ed = _sc_gather(
        ts, tx, E_in_idx[0], E_in_idx[1], E_ex_idx[0], E_ex_idx[1])
    wd = W_edge[:256]
    wo = jnp.concatenate([W_edge[256:], jnp.zeros((4, 256), f32)], axis=0)
    be = b_edge.reshape(1, -1)
    ge = gain_edges.reshape(1, -1)
    bbe = bias_edges.reshape(1, -1)
    h_E_in = _edge_call(g_is, g_id, wd, wo, be, ge, bbe)
    h_E_ex = _edge_call(g_es, g_ed, wd, wo, be, ge, bbe)
    return h_V, h_E_in, h_E_ex

# --- scband reference (transcript-rebuilt; emitter-appended) ---
"""Pipeline reference for scband-pie-8040178778148 (READ-ONLY COPY).

The authoritative reference and input builder live on the scoring server;
editing this copy changes nothing except your own understanding.
"""

import jax, jax.numpy as jnp
import numpy as np

N_NODES = 10000
N_EDGES = 160000
NODE_FEATURES = 128
EDGE_FEATURES = 256
NUM_RBF = 16
NODE_IN = 6 * NUM_RBF
EDGE_IN = 16 * NUM_RBF + 12


def _normalize(t, axis=-1):
    n = jnp.linalg.norm(t, axis=axis, keepdims=True)
    n = jnp.where(n == 0.0, 1.0, n)
    return t / n


def _rbf(D):
    D_mu = jnp.linspace(0.0, 20.0, NUM_RBF).reshape(1, 1, -1)
    D_sigma = (20.0 - 0.0) / NUM_RBF
    D_expand = D[..., None]
    return jnp.exp(-(((D_expand - D_mu) / D_sigma) ** 2))


def _get_rbf(A, B, E_idx=None):
    if E_idx is not None:
        src, dst = E_idx[0], E_idx[1]
        D = jnp.sqrt(jnp.sum((A[src] - B[dst]) ** 2, -1) + 1e-06)[:, None]
        return jnp.squeeze(_rbf(D), axis=1)
    else:
        D = jnp.sqrt(jnp.sum((A[:, None, :] - B[:, None, :]) ** 2, -1))
        return _rbf(D)


def _orientations_coarse(X, E_idx):
    src, dst = E_idx[0], E_idx[1]
    V = X
    Xr = X[:, :3, :].reshape(X.shape[0] * 3, 3)
    dX = Xr[1:, :] - Xr[:-1, :]
    U = _normalize(dX, axis=-1)
    u_0, u_1 = U[:-2, :], U[1:-1, :]
    n_0 = _normalize(jnp.cross(u_0, u_1), axis=-1)
    b_1 = _normalize(u_0 - u_1, axis=-1)
    n_0, b_1 = n_0[::3, :], b_1[::3, :]
    Q = jnp.stack((b_1, n_0, jnp.cross(b_1, n_0)), axis=2)
    Q = Q.reshape(Q.shape[0], 9)
    Q = jnp.pad(Q, ((0, 1), (0, 0)))
    Q = Q.reshape(Q.shape[0], 3, 3)[:, None]
    dXn = jnp.stack([V[:, i, :][dst] for i in [1, 0, 2, 3]], axis=1) - V[src, 0][:, None, :]
    dU = jnp.matmul(Q[src], dXn[..., None]).squeeze(-1)
    E_direct = _normalize(dU, axis=-1)
    return E_direct.reshape(E_direct.shape[0], -1)


def _norm_layer(x, gain, bias, eps=1e-06):
    mu = jnp.mean(x, -1, keepdims=True)
    sigma = jnp.sqrt(jnp.var(x, -1, keepdims=True, ddof=1) + eps)
    return gain * (x - mu) / (sigma + eps) + bias


NODE_LIST = ['Ca-N', 'Ca-C', 'Ca-O', 'N-C', 'N-O', 'O-C']
EDGE_LIST = ['Ca-Ca', 'Ca-C', 'C-Ca', 'Ca-N', 'N-Ca', 'Ca-O', 'O-Ca', 'C-C', 'C-N', 'N-C', 'C-O', 'O-C', 'N-N', 'N-O', 'O-N', 'O-O']


def setup_inputs(seed: int = 0):
    key = jax.random.key(seed)
    ks = jax.random.split(key, 6)
    X = jax.random.normal(ks[0], (N_NODES, 4, 3), dtype=jnp.float32)
    E_in_idx = jax.random.randint(ks[1], (2, N_EDGES), 0, N_NODES).astype(jnp.int32)
    E_ex_idx = jax.random.randint(ks[2], (2, N_EDGES), 0, N_NODES).astype(jnp.int32)
    W_node = jax.random.normal(ks[3], (NODE_IN, NODE_FEATURES), dtype=jnp.float32) * 0.05
    b_node = jnp.zeros((NODE_FEATURES,), jnp.float32)
    W_edge = jax.random.normal(ks[4], (EDGE_IN, EDGE_FEATURES), dtype=jnp.float32) * 0.05
    b_edge = jnp.zeros((EDGE_FEATURES,), jnp.float32)
    gain_nodes = jnp.ones((NODE_FEATURES,), jnp.float32)
    bias_nodes = jnp.zeros((NODE_FEATURES,), jnp.float32)
    gain_edges = jnp.ones((EDGE_FEATURES,), jnp.float32)
    bias_edges = jnp.zeros((EDGE_FEATURES,), jnp.float32)
    return {"X": X, "E_in_idx": E_in_idx, "E_ex_idx": E_ex_idx, "W_node": W_node, "b_node": b_node, "W_edge": W_edge, "b_edge": b_edge, "gain_nodes": gain_nodes, "bias_nodes": bias_nodes, "gain_edges": gain_edges, "bias_edges": bias_edges}


def reference(X, E_in_idx, E_ex_idx, W_node, b_node, W_edge, b_edge, gain_nodes, bias_nodes, gain_edges, bias_edges):
    atoms = {'N': X[:, 0], 'Ca': X[:, 1], 'C': X[:, 2], 'O': X[:, 3]}
    V_dist = jnp.concatenate([jnp.squeeze(_get_rbf(atoms[p.split('-')[0]], atoms[p.split('-')[1]], None), axis=1) for p in NODE_LIST], axis=-1)
    E_in_direct = _orientations_coarse(X, E_in_idx)
    E_ex_direct = _orientations_coarse(X, E_ex_idx)
    E_in_dist = jnp.concatenate([_get_rbf(atoms[p.split('-')[0]], atoms[p.split('-')[1]], E_in_idx) for p in EDGE_LIST], axis=-1)
    E_ex_dist = jnp.concatenate([_get_rbf(atoms[p.split('-')[0]], atoms[p.split('-')[1]], E_ex_idx) for p in EDGE_LIST], axis=-1)
    h_V = _norm_layer(V_dist @ W_node + b_node, gain_nodes, bias_nodes)
    h_E_in = _norm_layer(jnp.concatenate([E_in_dist, E_in_direct], axis=-1) @ W_edge + b_edge, gain_edges, bias_edges)
    h_E_ex = _norm_layer(jnp.concatenate([E_ex_dist, E_ex_direct], axis=-1) @ W_edge + b_edge, gain_edges, bias_edges)
    return (h_V, h_E_in, h_E_ex)

if __name__ == "__main__":
    import jax
    _d = setup_inputs()
    print(jax.jit(kernel)(*tuple(_d.values())))

</pallas_src>

<mosaic_0001>
#map = affine_map<(d0, d1) -> (0, 0)>
#map1 = affine_map<(d0, d1) -> (0)>
module attributes {stable_mosaic.version = 14 : i64} {
  func.func @k(%arg0: i32, %arg1: i32, %arg2: memref<10000x32xf32, #tpu.memory_space<hbm>>, %arg3: memref<10000x16xf32, #tpu.memory_space<hbm>>, %arg4: memref<160000xi32, #tpu.memory_space<hbm>>, %arg5: memref<160000xi32, #tpu.memory_space<hbm>>, %arg6: memref<160000xi32, #tpu.memory_space<hbm>>, %arg7: memref<160000xi32, #tpu.memory_space<hbm>>, %arg8: memref<160000x32xf32, #tpu.memory_space<hbm>>, %arg9: memref<160000x16xf32, #tpu.memory_space<hbm>>, %arg10: memref<160000x32xf32, #tpu.memory_space<hbm>>, %arg11: memref<160000x16xf32, #tpu.memory_space<hbm>>, %arg12: memref<128xi32, #tpu.memory_space<vmem>>, %arg13: memref<128xi32, #tpu.memory_space<vmem>>, %arg14: memref<128xi32, #tpu.memory_space<vmem>>, %arg15: memref<128xi32, #tpu.memory_space<vmem>>, %arg16: memref<128x32xf32, #tpu.memory_space<vmem>>, %arg17: memref<128x16xf32, #tpu.memory_space<vmem>>, %arg18: memref<128x32xf32, #tpu.memory_space<vmem>>, %arg19: memref<128x16xf32, #tpu.memory_space<vmem>>, %arg20: memref<!tpu.dma_semaphore, #tpu.memory_space<semaphore_mem>>) attributes {dimension_semantics = [#tpu.dimension_semantics<core_parallel>, #tpu.dimension_semantics<subcore_parallel>], iteration_bounds = array<i64: 2, 16>, scalar_prefetch = 0 : i64, scratch_operands = 9 : i64, tpu.core_type = #tpu.core_type<sc_vector_subcore>, window_params = [{transform_indices = #map}, {transform_indices = #map}, {transform_indices = #map1}, {transform_indices = #map1}, {transform_indices = #map1}, {transform_indices = #map1}, {transform_indices = #map}, {transform_indices = #map}, {transform_indices = #map}, {transform_indices = #map}]} {
    %mul3A = arith.constant 2 : i32
    %mul3A_0 = arith.muli %arg1, %mul3A : i32
    %add3A = arith.addi %mul3A_0, %arg0 : i32
    %mul3A_1 = arith.constant 40 : i32
    %mul3A_2 = arith.muli %add3A, %mul3A_1 : i32
    %sub3A = arith.constant 1250 : i32
    %sub3A_3 = arith.subi %sub3A, %mul3A_2 : i32
    %min3A = arith.constant 40 : i32
    %min3A_4 = arith.minsi %min3A, %sub3A_3 : i32
    %max3A = arith.constant 0 : i32
    %max3A_5 = arith.maxsi %max3A, %min3A_4 : i32
    %while3A = arith.constant 0 : i32
    %while3A_6 = arith.constant 0 : i32
    %while3A_7 = arith.subi %max3A_5, %while3A_6 : i32
    %while3A_8 = arith.addi %while3A_6, %while3A_7 : i32
    %while3A_9 = arith.constant 1 : i32
    %while3A_10 = arith.divsi %while3A_7, %while3A_9 : i32
    %while3A_11 = arith.muli %while3A_10, %while3A_9 : i32
    %while3A_12 = arith.addi %while3A_6, %while3A_11 : i32
    %while3A_13 = arith.constant 1 : i32
    scf.for %while3A_15 = %while3A_6 to %while3A_12 step %while3A_13  : i32 {
      %mul3A_16 = arith.constant 40 : i32
      %mul3A_17 = arith.muli %add3A, %mul3A_16 : i32
      %add3A_18 = arith.addi %mul3A_17, %while3A_15 : i32
      %mul3A_19 = arith.constant 128 : i32
      %mul3A_20 = arith.muli %add3A_18, %mul3A_19 : i32
      %dma_start3A = tpu.memref_slice %arg4[%mul3A_20] : memref<160000xi32, #tpu.memory_space<hbm>> -> memref<128xi32, #tpu.memory_space<hbm>>
      %dma_start3A_21 = tpu.memref_slice %arg4[%mul3A_20] : memref<160000xi32, #tpu.memory_space<hbm>> -> memref<128xi32, #tpu.memory_space<hbm>>
      tpu.enqueue_dma source(%dma_start3A_21 : memref<128xi32, #tpu.memory_space<hbm>>) target(%arg12 : memref<128xi32, #tpu.memory_space<vmem>>) target_semaphore(%arg20 : memref<!tpu.dma_semaphore, #tpu.memory_space<semaphore_mem>>)
      %dma_start3A_22 = tpu.memref_slice %arg5[%mul3A_20] : memref<160000xi32, #tpu.memory_space<hbm>> -> memref<128xi32, #tpu.memory_space<hbm>>
      %dma_start3A_23 = tpu.memref_slice %arg5[%mul3A_20] : memref<160000xi32, #tpu.memory_space<hbm>> -> memref<128xi32, #tpu.memory_space<hbm>>
      tpu.enqueue_dma source(%dma_start3A_23 : memref<128xi32, #tpu.memory_space<hbm>>) target(%arg13 : memref<128xi32, #tpu.memory_space<vmem>>) target_semaphore(%arg20 : memref<!tpu.dma_semaphore, #tpu.memory_space<semaphore_mem>>)
      %dma_start3A_24 = tpu.memref_slice %arg6[%mul3A_20] : memref<160000xi32, #tpu.memory_space<hbm>> -> memref<128xi32, #tpu.memory_space<hbm>>
      %dma_start3A_25 = tpu.memref_slice %arg6[%mul3A_20] : memref<160000xi32, #tpu.memory_space<hbm>> -> memref<128xi32, #tpu.memory_space<hbm>>
      tpu.enqueue_dma source(%dma_start3A_25 : memref<128xi32, #tpu.memory_space<hbm>>) target(%arg14 : memref<128xi32, #tpu.memory_space<vmem>>) target_semaphore(%arg20 : memref<!tpu.dma_semaphore, #tpu.memory_space<semaphore_mem>>)
      %dma_start3A_26 = tpu.memref_slice %arg7[%mul3A_20] : memref<160000xi32, #tpu.memory_space<hbm>> -> memref<128xi32, #tpu.memory_space<hbm>>
      %dma_start3A_27 = tpu.memref_slice %arg7[%mul3A_20] : memref<160000xi32, #tpu.memory_space<hbm>> -> memref<128xi32, #tpu.memory_space<hbm>>
      tpu.enqueue_dma source(%dma_start3A_27 : memref<128xi32, #tpu.memory_space<hbm>>) target(%arg15 : memref<128xi32, #tpu.memory_space<vmem>>) target_semaphore(%arg20 : memref<!tpu.dma_semaphore, #tpu.memory_space<semaphore_mem>>)
      %dma_wait3A = tpu.memref_slice %arg4[%mul3A_20] : memref<160000xi32, #tpu.memory_space<hbm>> -> memref<128xi32, #tpu.memory_space<hbm>>
      %dma_wait3A_28 = tpu.memref_slice %arg4[%mul3A_20] : memref<160000xi32, #tpu.memory_space<hbm>> -> memref<128xi32, #tpu.memory_space<hbm>>
      tpu.wait_dma2 semaphore(%arg20 : memref<!tpu.dma_semaphore, #tpu.memory_space<semaphore_mem>>) src(%dma_wait3A_28 : memref<128xi32, #tpu.memory_space<hbm>>) dst(%arg12 : memref<128xi32, #tpu.memory_space<vmem>>)
      %dma_wait3A_29 = tpu.memref_slice %arg5[%mul3A_20] : memref<160000xi32, #tpu.memory_space<hbm>> -> memref<128xi32, #tpu.memory_space<hbm>>
      %dma_wait3A_30 = tpu.memref_slice %arg5[%mul3A_20] : memref<160000xi32, #tpu.memory_space<hbm>> -> memref<128xi32, #tpu.memory_space<hbm>>
      tpu.wait_dma2 semaphore(%arg20 : memref<!tpu.dma_semaphore, #tpu.memory_space<semaphore_mem>>) src(%dma_wait3A_30 : memref<128xi32, #tpu.memory_space<hbm>>) dst(%arg13 : memref<128xi32, #tpu.memory_space<vmem>>)
      %dma_wait3A_31 = tpu.memref_slice %arg6[%mul3A_20] : memref<160000xi32, #tpu.memory_space<hbm>> -> memref<128xi32, #tpu.memory_space<hbm>>
      %dma_wait3A_32 = tpu.memref_slice %arg6[%mul3A_20] : memref<160000xi32, #tpu.memory_space<hbm>> -> memref<128xi32, #tpu.memory_space<hbm>>
      tpu.wait_dma2 semaphore(%arg20 : memref<!tpu.dma_semaphore, #tpu.memory_space<semaphore_mem>>) src(%dma_wait3A_32 : memref<128xi32, #tpu.memory_space<hbm>>) dst(%arg14 : memref<128xi32, #tpu.memory_space<vmem>>)
      %dma_wait3A_33 = tpu.memref_slice %arg7[%mul3A_20] : memref<160000xi32, #tpu.memory_space<hbm>> -> memref<128xi32, #tpu.memory_space<hbm>>
      %dma_wait3A_34 = tpu.memref_slice %arg7[%mul3A_20] : memref<160000xi32, #tpu.memory_space<hbm>> -> memref<128xi32, #tpu.memory_space<hbm>>
      tpu.wait_dma2 semaphore(%arg20 : memref<!tpu.dma_semaphore, #tpu.memory_space<semaphore_mem>>) src(%dma_wait3A_34 : memref<128xi32, #tpu.memory_space<hbm>>) dst(%arg15 : memref<128xi32, #tpu.memory_space<vmem>>)
      %dma_start3A_35 = arith.constant 0 : i32
      %dma_start3A_36 = arith.constant 0 : i32
      %dma_start3A_37 = tpu.memref_slice %arg2[%dma_start3A_35, %dma_start3A_36] : memref<10000x32xf32, #tpu.memory_space<hbm>> -> memref<10000x32xf32, #tpu.memory_space<hbm>>
      tpu.enqueue_indirect_dma source(%dma_start3A_37 : memref<10000x32xf32, #tpu.memory_space<hbm>>) target(%arg16 : memref<128x32xf32, #tpu.memory_space<vmem>>) offsets(%arg12 : memref<128xi32, #tpu.memory_space<vmem>>) semaphore(%arg20 : memref<!tpu.dma_semaphore, #tpu.memory_space<semaphore_mem>>)
      %dma_start3A_38 = arith.constant 0 : i32
      %dma_start3A_39 = arith.constant 0 : i32
      %dma_start3A_40 = tpu.memref_slice %arg3[%dma_start3A_38, %dma_start3A_39] : memref<10000x16xf32, #tpu.memory_space<hbm>> -> memref<10000x16xf32, #tpu.memory_space<hbm>>
      tpu.enqueue_indirect_dma source(%dma_start3A_40 : memref<10000x16xf32, #tpu.memory_space<hbm>>) target(%arg17 : memref<128x16xf32, #tpu.memory_space<vmem>>) offsets(%arg13 : memref<128xi32, #tpu.memory_space<vmem>>) semaphore(%arg20 : memref<!tpu.dma_semaphore, #tpu.memory_space<semaphore_mem>>)
      %dma_start3A_41 = arith.constant 0 : i32
      %dma_start3A_42 = arith.constant 0 : i32
      %dma_start3A_43 = tpu.memref_slice %arg2[%dma_start3A_41, %dma_start3A_42] : memref<10000x32xf32, #tpu.memory_space<hbm>> -> memref<10000x32xf32, #tpu.memory_space<hbm>>
      tpu.enqueue_indirect_dma source(%dma_start3A_43 : memref<10000x32xf32, #tpu.memory_space<hbm>>) target(%arg18 : memref<128x32xf32, #tpu.memory_space<vmem>>) offsets(%arg14 : memref<128xi32, #tpu.memory_space<vmem>>) semaphore(%arg20 : memref<!tpu.dma_semaphore, #tpu.memory_space<semaphore_mem>>)
      %dma_start3A_44 = arith.constant 0 : i32
      %dma_start3A_45 = arith.constant 0 : i32
      %dma_start3A_46 = tpu.memref_slice %arg3[%dma_start3A_44, %dma_start3A_45] : memref<10000x16xf32, #tpu.memory_space<hbm>> -> memref<10000x16xf32, #tpu.memory_space<hbm>>
      tpu.enqueue_indirect_dma source(%dma_start3A_46 : memref<10000x16xf32, #tpu.memory_space<hbm>>) target(%arg19 : memref<128x16xf32, #tpu.memory_space<vmem>>) offsets(%arg15 : memref<128xi32, #tpu.memory_space<vmem>>) semaphore(%arg20 : memref<!tpu.dma_semaphore, #tpu.memory_space<semaphore_mem>>)
      %dma_wait3A_47 = arith.constant 0 : i32
      %dma_wait3A_48 = arith.constant 0 : i32
      %dma_wait3A_49 = tpu.memref_slice %arg2[%dma_wait3A_47, %dma_wait3A_48] : memref<10000x32xf32, #tpu.memory_space<hbm>> -> memref<10000x32xf32, #tpu.memory_space<hbm>>
      tpu.wait_indirect_dma semaphore(%arg20 : memref<!tpu.dma_semaphore, #tpu.memory_space<semaphore_mem>>) src(%dma_wait3A_49 : memref<10000x32xf32, #tpu.memory_space<hbm>>) dst(%arg16 : memref<128x32xf32, #tpu.memory_space<vmem>>)
      %dma_wait3A_50 = arith.constant 0 : i32
      %dma_wait3A_51 = arith.constant 0 : i32
      %dma_wait3A_52 = tpu.memref_slice %arg3[%dma_wait3A_50, %dma_wait3A_51] : memref<10000x16xf32, #tpu.memory_space<hbm>> -> memref<10000x16xf32, #tpu.memory_space<hbm>>
      tpu.wait_indirect_dma semaphore(%arg20 : memref<!tpu.dma_semaphore, #tpu.memory_space<semaphore_mem>>) src(%dma_wait3A_52 : memref<10000x16xf32, #tpu.memory_space<hbm>>) dst(%arg17 : memref<128x16xf32, #tpu.memory_space<vmem>>)
      %dma_wait3A_53 = arith.constant 0 : i32
      %dma_wait3A_54 = arith.constant 0 : i32
      %dma_wait3A_55 = tpu.memref_slice %arg2[%dma_wait3A_53, %dma_wait3A_54] : memref<10000x32xf32, #tpu.memory_space<hbm>> -> memref<10000x32xf32, #tpu.memory_space<hbm>>
      tpu.wait_indirect_dma semaphore(%arg20 : memref<!tpu.dma_semaphore, #tpu.memory_space<semaphore_mem>>) src(%dma_wait3A_55 : memref<10000x32xf32, #tpu.memory_space<hbm>>) dst(%arg18 : memref<128x32xf32, #tpu.memory_space<vmem>>)
      %dma_wait3A_56 = arith.constant 0 : i32
      %dma_wait3A_57 = arith.constant 0 : i32
      %dma_wait3A_58 = tpu.memref_slice %arg3[%dma_wait3A_56, %dma_wait3A_57] : memref<10000x16xf32, #tpu.memory_space<hbm>> -> memref<10000x16xf32, #tpu.memory_space<hbm>>
      tpu.wait_indirect_dma semaphore(%arg20 : memref<!tpu.dma_semaphore, #tpu.memory_space<semaphore_mem>>) src(%dma_wait3A_58 : memref<10000x16xf32, #tpu.memory_space<hbm>>) dst(%arg19 : memref<128x16xf32, #tpu.memory_space<vmem>>)
      %dma_start3A_59 = arith.constant 0 : i32
      %dma_start3A_60 = tpu.memref_slice %arg8[%mul3A_20, %dma_start3A_59] : memref<160000x32xf32, #tpu.memory_space<hbm>> -> memref<128x32xf32, #tpu.memory_space<hbm>>
      %dma_start3A_61 = arith.constant 0 : i32
      %dma_start3A_62 = tpu.memref_slice %arg8[%mul3A_20, %dma_start3A_61] : memref<160000x32xf32, #tpu.memory_space<hbm>> -> memref<128x32xf32, #tpu.memory_space<hbm>>
      tpu.enqueue_dma source(%arg16 : memref<128x32xf32, #tpu.memory_space<vmem>>) target(%dma_start3A_62 : memref<128x32xf32, #tpu.memory_space<hbm>>) target_semaphore(%arg20 : memref<!tpu.dma_semaphore, #tpu.memory_space<semaphore_mem>>)
      %dma_start3A_63 = arith.constant 0 : i32
      %dma_start3A_64 = tpu.memref_slice %arg9[%mul3A_20, %dma_start3A_63] : memref<160000x16xf32, #tpu.memory_space<hbm>> -> memref<128x16xf32, #tpu.memory_space<hbm>>
      %dma_start3A_65 = arith.constant 0 : i32
      %dma_start3A_66 = tpu.memref_slice %arg9[%mul3A_20, %dma_start3A_65] : memref<160000x16xf32, #tpu.memory_space<hbm>> -> memref<128x16xf32, #tpu.memory_space<hbm>>
      tpu.enqueue_dma source(%arg17 : memref<128x16xf32, #tpu.memory_space<vmem>>) target(%dma_start3A_66 : memref<128x16xf32, #tpu.memory_space<hbm>>) target_semaphore(%arg20 : memref<!tpu.dma_semaphore, #tpu.memory_space<semaphore_mem>>)
      %dma_start3A_67 = arith.constant 0 : i32
      %dma_start3A_68 = tpu.memref_slice %arg10[%mul3A_20, %dma_start3A_67] : memref<160000x32xf32, #tpu.memory_space<hbm>> -> memref<128x32xf32, #tpu.memory_space<hbm>>
      %dma_start3A_69 = arith.constant 0 : i32
      %dma_start3A_70 = tpu.memref_slice %arg10[%mul3A_20, %dma_start3A_69] : memref<160000x32xf32, #tpu.memory_space<hbm>> -> memref<128x32xf32, #tpu.memory_space<hbm>>
      tpu.enqueue_dma source(%arg18 : memref<128x32xf32, #tpu.memory_space<vmem>>) target(%dma_start3A_70 : memref<128x32xf32, #tpu.memory_space<hbm>>) target_semaphore(%arg20 : memref<!tpu.dma_semaphore, #tpu.memory_space<semaphore_mem>>)
      %dma_start3A_71 = arith.constant 0 : i32
      %dma_start3A_72 = tpu.memref_slice %arg11[%mul3A_20, %dma_start3A_71] : memref<160000x16xf32, #tpu.memory_space<hbm>> -> memref<128x16xf32, #tpu.memory_space<hbm>>
      %dma_start3A_73 = arith.constant 0 : i32
      %dma_start3A_74 = tpu.memref_slice %arg11[%mul3A_20, %dma_start3A_73] : memref<160000x16xf32, #tpu.memory_space<hbm>> -> memref<128x16xf32, #tpu.memory_space<hbm>>
      tpu.enqueue_dma source(%arg19 : memref<128x16xf32, #tpu.memory_space<vmem>>) target(%dma_start3A_74 : memref<128x16xf32, #tpu.memory_space<hbm>>) target_semaphore(%arg20 : memref<!tpu.dma_semaphore, #tpu.memory_space<semaphore_mem>>)
      %dma_wait3A_75 = arith.constant 0 : i32
      %dma_wait3A_76 = tpu.memref_slice %arg8[%mul3A_20, %dma_wait3A_75] : memref<160000x32xf32, #tpu.memory_space<hbm>> -> memref<128x32xf32, #tpu.memory_space<hbm>>
      %dma_wait3A_77 = arith.constant 0 : i32
      %dma_wait3A_78 = tpu.memref_slice %arg8[%mul3A_20, %dma_wait3A_77] : memref<160000x32xf32, #tpu.memory_space<hbm>> -> memref<128x32xf32, #tpu.memory_space<hbm>>
      tpu.wait_dma2 semaphore(%arg20 : memref<!tpu.dma_semaphore, #tpu.memory_space<semaphore_mem>>) src(%arg16 : memref<128x32xf32, #tpu.memory_space<vmem>>) dst(%dma_wait3A_78 : memref<128x32xf32, #tpu.memory_space<hbm>>)
      %dma_wait3A_79 = arith.constant 0 : i32
      %dma_wait3A_80 = tpu.memref_slice %arg9[%mul3A_20, %dma_wait3A_79] : memref<160000x16xf32, #tpu.memory_space<hbm>> -> memref<128x16xf32, #tpu.memory_space<hbm>>
      %dma_wait3A_81 = arith.constant 0 : i32
      %dma_wait3A_82 = tpu.memref_slice %arg9[%mul3A_20, %dma_wait3A_81] : memref<160000x16xf32, #tpu.memory_space<hbm>> -> memref<128x16xf32, #tpu.memory_space<hbm>>
      tpu.wait_dma2 semaphore(%arg20 : memref<!tpu.dma_semaphore, #tpu.memory_space<semaphore_mem>>) src(%arg17 : memref<128x16xf32, #tpu.memory_space<vmem>>) dst(%dma_wait3A_82 : memref<128x16xf32, #tpu.memory_space<hbm>>)
      %dma_wait3A_83 = arith.constant 0 : i32
      %dma_wait3A_84 = tpu.memref_slice %arg10[%mul3A_20, %dma_wait3A_83] : memref<160000x32xf32, #tpu.memory_space<hbm>> -> memref<128x32xf32, #tpu.memory_space<hbm>>
      %dma_wait3A_85 = arith.constant 0 : i32
      %dma_wait3A_86 = tpu.memref_slice %arg10[%mul3A_20, %dma_wait3A_85] : memref<160000x32xf32, #tpu.memory_space<hbm>> -> memref<128x32xf32, #tpu.memory_space<hbm>>
      tpu.wait_dma2 semaphore(%arg20 : memref<!tpu.dma_semaphore, #tpu.memory_space<semaphore_mem>>) src(%arg18 : memref<128x32xf32, #tpu.memory_space<vmem>>) dst(%dma_wait3A_86 : memref<128x32xf32, #tpu.memory_space<hbm>>)
      %dma_wait3A_87 = arith.constant 0 : i32
      %dma_wait3A_88 = tpu.memref_slice %arg11[%mul3A_20, %dma_wait3A_87] : memref<160000x16xf32, #tpu.memory_space<hbm>> -> memref<128x16xf32, #tpu.memory_space<hbm>>
      %dma_wait3A_89 = arith.constant 0 : i32
      %dma_wait3A_90 = tpu.memref_slice %arg11[%mul3A_20, %dma_wait3A_89] : memref<160000x16xf32, #tpu.memory_space<hbm>> -> memref<128x16xf32, #tpu.memory_space<hbm>>
      tpu.wait_dma2 semaphore(%arg20 : memref<!tpu.dma_semaphore, #tpu.memory_space<semaphore_mem>>) src(%arg19 : memref<128x16xf32, #tpu.memory_space<vmem>>) dst(%dma_wait3A_90 : memref<128x16xf32, #tpu.memory_space<hbm>>)
    }
    %while3A_14 = arith.constant 1 : i32
    scf.for %while3A_15 = %while3A_12 to %while3A_8 step %while3A_14  : i32 {
      %mul3A_16 = arith.constant 40 : i32
      %mul3A_17 = arith.muli %add3A, %mul3A_16 : i32
      %add3A_18 = arith.addi %mul3A_17, %while3A_15 : i32
      %mul3A_19 = arith.constant 128 : i32
      %mul3A_20 = arith.muli %add3A_18, %mul3A_19 : i32
      %dma_start3A = tpu.memref_slice %arg4[%mul3A_20] : memref<160000xi32, #tpu.memory_space<hbm>> -> memref<128xi32, #tpu.memory_space<hbm>>
      %dma_start3A_21 = tpu.memref_slice %arg4[%mul3A_20] : memref<160000xi32, #tpu.memory_space<hbm>> -> memref<128xi32, #tpu.memory_space<hbm>>
      tpu.enqueue_dma source(%dma_start3A_21 : memref<128xi32, #tpu.memory_space<hbm>>) target(%arg12 : memref<128xi32, #tpu.memory_space<vmem>>) target_semaphore(%arg20 : memref<!tpu.dma_semaphore, #tpu.memory_space<semaphore_mem>>)
      %dma_start3A_22 = tpu.memref_slice %arg5[%mul3A_20] : memref<160000xi32, #tpu.memory_space<hbm>> -> memref<128xi32, #tpu.memory_space<hbm>>
      %dma_start3A_23 = tpu.memref_slice %arg5[%mul3A_20] : memref<160000xi32, #tpu.memory_space<hbm>> -> memref<128xi32, #tpu.memory_space<hbm>>
      tpu.enqueue_dma source(%dma_start3A_23 : memref<128xi32, #tpu.memory_space<hbm>>) target(%arg13 : memref<128xi32, #tpu.memory_space<vmem>>) target_semaphore(%arg20 : memref<!tpu.dma_semaphore, #tpu.memory_space<semaphore_mem>>)
      %dma_start3A_24 = tpu.memref_slice %arg6[%mul3A_20] : memref<160000xi32, #tpu.memory_space<hbm>> -> memref<128xi32, #tpu.memory_space<hbm>>
      %dma_start3A_25 = tpu.memref_slice %arg6[%mul3A_20] : memref<160000xi32, #tpu.memory_space<hbm>> -> memref<128xi32, #tpu.memory_space<hbm>>
      tpu.enqueue_dma source(%dma_start3A_25 : memref<128xi32, #tpu.memory_space<hbm>>) target(%arg14 : memref<128xi32, #tpu.memory_space<vmem>>) target_semaphore(%arg20 : memref<!tpu.dma_semaphore, #tpu.memory_space<semaphore_mem>>)
      %dma_start3A_26 = tpu.memref_slice %arg7[%mul3A_20] : memref<160000xi32, #tpu.memory_space<hbm>> -> memref<128xi32, #tpu.memory_space<hbm>>
      %dma_start3A_27 = tpu.memref_slice %arg7[%mul3A_20] : memref<160000xi32, #tpu.memory_space<hbm>> -> memref<128xi32, #tpu.memory_space<hbm>>
      tpu.enqueue_dma source(%dma_start3A_27 : memref<128xi32, #tpu.memory_space<hbm>>) target(%arg15 : memref<128xi32, #tpu.memory_space<vmem>>) target_semaphore(%arg20 : memref<!tpu.dma_semaphore, #tpu.memory_space<semaphore_mem>>)
      %dma_wait3A = tpu.memref_slice %arg4[%mul3A_20] : memref<160000xi32, #tpu.memory_space<hbm>> -> memref<128xi32, #tpu.memory_space<hbm>>
      %dma_wait3A_28 = tpu.memref_slice %arg4[%mul3A_20] : memref<160000xi32, #tpu.memory_space<hbm>> -> memref<128xi32, #tpu.memory_space<hbm>>
      tpu.wait_dma2 semaphore(%arg20 : memref<!tpu.dma_semaphore, #tpu.memory_space<semaphore_mem>>) src(%dma_wait3A_28 : memref<128xi32, #tpu.memory_space<hbm>>) dst(%arg12 : memref<128xi32, #tpu.memory_space<vmem>>)
      %dma_wait3A_29 = tpu.memref_slice %arg5[%mul3A_20] : memref<160000xi32, #tpu.memory_space<hbm>> -> memref<128xi32, #tpu.memory_space<hbm>>
      %dma_wait3A_30 = tpu.memref_slice %arg5[%mul3A_20] : memref<160000xi32, #tpu.memory_space<hbm>> -> memref<128xi32, #tpu.memory_space<hbm>>
      tpu.wait_dma2 semaphore(%arg20 : memref<!tpu.dma_semaphore, #tpu.memory_space<semaphore_mem>>) src(%dma_wait3A_30 : memref<128xi32, #tpu.memory_space<hbm>>) dst(%arg13 : memref<128xi32, #tpu.memory_space<vmem>>)
      %dma_wait3A_31 = tpu.memref_slice %arg6[%mul3A_20] : memref<160000xi32, #tpu.memory_space<hbm>> -> memref<128xi32, #tpu.memory_space<hbm>>
      %dma_wait3A_32 = tpu.memref_slice %arg6[%mul3A_20] : memref<160000xi32, #tpu.memory_space<hbm>> -> memref<128xi32, #tpu.memory_space<hbm>>
      tpu.wait_dma2 semaphore(%arg20 : memref<!tpu.dma_semaphore, #tpu.memory_space<semaphore_mem>>) src(%dma_wait3A_32 : memref<128xi32, #tpu.memory_space<hbm>>) dst(%arg14 : memref<128xi32, #tpu.memory_space<vmem>>)
      %dma_wait3A_33 = tpu.memref_slice %arg7[%mul3A_20] : memref<160000xi32, #tpu.memory_space<hbm>> -> memref<128xi32, #tpu.memory_space<hbm>>
      %dma_wait3A_34 = tpu.memref_slice %arg7[%mul3A_20] : memref<160000xi32, #tpu.memory_space<hbm>> -> memref<128xi32, #tpu.memory_space<hbm>>
      tpu.wait_dma2 semaphore(%arg20 : memref<!tpu.dma_semaphore, #tpu.memory_space<semaphore_mem>>) src(%dma_wait3A_34 : memref<128xi32, #tpu.memory_space<hbm>>) dst(%arg15 : memref<128xi32, #tpu.memory_space<vmem>>)
      %dma_start3A_35 = arith.constant 0 : i32
      %dma_start3A_36 = arith.constant 0 : i32
      %dma_start3A_37 = tpu.memref_slice %arg2[%dma_start3A_35, %dma_start3A_36] : memref<10000x32xf32, #tpu.memory_space<hbm>> -> memref<10000x32xf32, #tpu.memory_space<hbm>>
      tpu.enqueue_indirect_dma source(%dma_start3A_37 : memref<10000x32xf32, #tpu.memory_space<hbm>>) target(%arg16 : memref<128x32xf32, #tpu.memory_space<vmem>>) offsets(%arg12 : memref<128xi32, #tpu.memory_space<vmem>>) semaphore(%arg20 : memref<!tpu.dma_semaphore, #tpu.memory_space<semaphore_mem>>)
      %dma_start3A_38 = arith.constant 0 : i32
      %dma_start3A_39 = arith.constant 0 : i32
      %dma_start3A_40 = tpu.memref_slice %arg3[%dma_start3A_38, %dma_start3A_39] : memref<10000x16xf32, #tpu.memory_space<hbm>> -> memref<10000x16xf32, #tpu.memory_space<hbm>>
      tpu.enqueue_indirect_dma source(%dma_start3A_40 : memref<10000x16xf32, #tpu.memory_space<hbm>>) target(%arg17 : memref<128x16xf32, #tpu.memory_space<vmem>>) offsets(%arg13 : memref<128xi32, #tpu.memory_space<vmem>>) semaphore(%arg20 : memref<!tpu.dma_semaphore, #tpu.memory_space<semaphore_mem>>)
      %dma_start3A_41 = arith.constant 0 : i32
      %dma_start3A_42 = arith.constant 0 : i32
      %dma_start3A_43 = tpu.memref_slice %arg2[%dma_start3A_41, %dma_start3A_42] : memref<10000x32xf32, #tpu.memory_space<hbm>> -> memref<10000x32xf32, #tpu.memory_space<hbm>>
      tpu.enqueue_indirect_dma source(%dma_start3A_43 : memref<10000x32xf32, #tpu.memory_space<hbm>>) target(%arg18 : memref<128x32xf32, #tpu.memory_space<vmem>>) offsets(%arg14 : memref<128xi32, #tpu.memory_space<vmem>>) semaphore(%arg20 : memref<!tpu.dma_semaphore, #tpu.memory_space<semaphore_mem>>)
      %dma_start3A_44 = arith.constant 0 : i32
      %dma_start3A_45 = arith.constant 0 : i32
      %dma_start3A_46 = tpu.memref_slice %arg3[%dma_start3A_44, %dma_start3A_45] : memref<10000x16xf32, #tpu.memory_space<hbm>> -> memref<10000x16xf32, #tpu.memory_space<hbm>>
      tpu.enqueue_indirect_dma source(%dma_start3A_46 : memref<10000x16xf32, #tpu.memory_space<hbm>>) target(%arg19 : memref<128x16xf32, #tpu.memory_space<vmem>>) offsets(%arg15 : memref<128xi32, #tpu.memory_space<vmem>>) semaphore(%arg20 : memref<!tpu.dma_semaphore, #tpu.memory_space<semaphore_mem>>)
      %dma_wait3A_47 = arith.constant 0 : i32
      %dma_wait3A_48 = arith.constant 0 : i32
      %dma_wait3A_49 = tpu.memref_slice %arg2[%dma_wait3A_47, %dma_wait3A_48] : memref<10000x32xf32, #tpu.memory_space<hbm>> -> memref<10000x32xf32, #tpu.memory_space<hbm>>
      tpu.wait_indirect_dma semaphore(%arg20 : memref<!tpu.dma_semaphore, #tpu.memory_space<semaphore_mem>>) src(%dma_wait3A_49 : memref<10000x32xf32, #tpu.memory_space<hbm>>) dst(%arg16 : memref<128x32xf32, #tpu.memory_space<vmem>>)
      %dma_wait3A_50 = arith.constant 0 : i32
      %dma_wait3A_51 = arith.constant 0 : i32
      %dma_wait3A_52 = tpu.memref_slice %arg3[%dma_wait3A_50, %dma_wait3A_51] : memref<10000x16xf32, #tpu.memory_space<hbm>> -> memref<10000x16xf32, #tpu.memory_space<hbm>>
      tpu.wait_indirect_dma semaphore(%arg20 : memref<!tpu.dma_semaphore, #tpu.memory_space<semaphore_mem>>) src(%dma_wait3A_52 : memref<10000x16xf32, #tpu.memory_space<hbm>>) dst(%arg17 : memref<128x16xf32, #tpu.memory_space<vmem>>)
      %dma_wait3A_53 = arith.constant 0 : i32
      %dma_wait3A_54 = arith.constant 0 : i32
      %dma_wait3A_55 = tpu.memref_slice %arg2[%dma_wait3A_53, %dma_wait3A_54] : memref<10000x32xf32, #tpu.memory_space<hbm>> -> memref<10000x32xf32, #tpu.memory_space<hbm>>
      tpu.wait_indirect_dma semaphore(%arg20 : memref<!tpu.dma_semaphore, #tpu.memory_space<semaphore_mem>>) src(%dma_wait3A_55 : memref<10000x32xf32, #tpu.memory_space<hbm>>) dst(%arg18 : memref<128x32xf32, #tpu.memory_space<vmem>>)
      %dma_wait3A_56 = arith.constant 0 : i32
      %dma_wait3A_57 = arith.constant 0 : i32
      %dma_wait3A_58 = tpu.memref_slice %arg3[%dma_wait3A_56, %dma_wait3A_57] : memref<10000x16xf32, #tpu.memory_space<hbm>> -> memref<10000x16xf32, #tpu.memory_space<hbm>>
      tpu.wait_indirect_dma semaphore(%arg20 : memref<!tpu.dma_semaphore, #tpu.memory_space<semaphore_mem>>) src(%dma_wait3A_58 : memref<10000x16xf32, #tpu.memory_space<hbm>>) dst(%arg19 : memref<128x16xf32, #tpu.memory_space<vmem>>)
      %dma_start3A_59 = arith.constant 0 : i32
      %dma_start3A_60 = tpu.memref_slice %arg8[%mul3A_20, %dma_start3A_59] : memref<160000x32xf32, #tpu.memory_space<hbm>> -> memref<128x32xf32, #tpu.memory_space<hbm>>
      %dma_start3A_61 = arith.constant 0 : i32
      %dma_start3A_62 = tpu.memref_slice %arg8[%mul3A_20, %dma_start3A_61] : memref<160000x32xf32, #tpu.memory_space<hbm>> -> memref<128x32xf32, #tpu.memory_space<hbm>>
      tpu.enqueue_dma source(%arg16 : memref<128x32xf32, #tpu.memory_space<vmem>>) target(%dma_start3A_62 : memref<128x32xf32, #tpu.memory_space<hbm>>) target_semaphore(%arg20 : memref<!tpu.dma_semaphore, #tpu.memory_space<semaphore_mem>>)
      %dma_start3A_63 = arith.constant 0 : i32
      %dma_start3A_64 = tpu.memref_slice %arg9[%mul3A_20, %dma_start3A_63] : memref<160000x16xf32, #tpu.memory_space<hbm>> -> memref<128x16xf32, #tpu.memory_space<hbm>>
      %dma_start3A_65 = arith.constant 0 : i32
      %dma_start3A_66 = tpu.memref_slice %arg9[%mul3A_20, %dma_start3A_65] : memref<160000x16xf32, #tpu.memory_space<hbm>> -> memref<128x16xf32, #tpu.memory_space<hbm>>
      tpu.enqueue_dma source(%arg17 : memref<128x16xf32, #tpu.memory_space<vmem>>) target(%dma_start3A_66 : memref<128x16xf32, #tpu.memory_space<hbm>>) target_semaphore(%arg20 : memref<!tpu.dma_semaphore, #tpu.memory_space<semaphore_mem>>)
      %dma_start3A_67 = arith.constant 0 : i32
      %dma_start3A_68 = tpu.memref_slice %arg10[%mul3A_20, %dma_start3A_67] : memref<160000x32xf32, #tpu.memory_space<hbm>> -> memref<128x32xf32, #tpu.memory_space<hbm>>
      %dma_start3A_69 = arith.constant 0 : i32
      %dma_start3A_70 = tpu.memref_slice %arg10[%mul3A_20, %dma_start3A_69] : memref<160000x32xf32, #tpu.memory_space<hbm>> -> memref<128x32xf32, #tpu.memory_space<hbm>>
      tpu.enqueue_dma source(%arg18 : memref<128x32xf32, #tpu.memory_space<vmem>>) target(%dma_start3A_70 : memref<128x32xf32, #tpu.memory_space<hbm>>) target_semaphore(%arg20 : memref<!tpu.dma_semaphore, #tpu.memory_space<semaphore_mem>>)
      %dma_start3A_71 = arith.constant 0 : i32
      %dma_start3A_72 = tpu.memref_slice %arg11[%mul3A_20, %dma_start3A_71] : memref<160000x16xf32, #tpu.memory_space<hbm>> -> memref<128x16xf32, #tpu.memory_space<hbm>>
      %dma_start3A_73 = arith.constant 0 : i32
      %dma_start3A_74 = tpu.memref_slice %arg11[%mul3A_20, %dma_start3A_73] : memref<160000x16xf32, #tpu.memory_space<hbm>> -> memref<128x16xf32, #tpu.memory_space<hbm>>
      tpu.enqueue_dma source(%arg19 : memref<128x16xf32, #tpu.memory_space<vmem>>) target(%dma_start3A_74 : memref<128x16xf32, #tpu.memory_space<hbm>>) target_semaphore(%arg20 : memref<!tpu.dma_semaphore, #tpu.memory_space<semaphore_mem>>)
      %dma_wait3A_75 = arith.constant 0 : i32
      %dma_wait3A_76 = tpu.memref_slice %arg8[%mul3A_20, %dma_wait3A_75] : memref<160000x32xf32, #tpu.memory_space<hbm>> -> memref<128x32xf32, #tpu.memory_space<hbm>>
      %dma_wait3A_77 = arith.constant 0 : i32
      %dma_wait3A_78 = tpu.memref_slice %arg8[%mul3A_20, %dma_wait3A_77] : memref<160000x32xf32, #tpu.memory_space<hbm>> -> memref<128x32xf32, #tpu.memory_space<hbm>>
      tpu.wait_dma2 semaphore(%arg20 : memref<!tpu.dma_semaphore, #tpu.memory_space<semaphore_mem>>) src(%arg16 : memref<128x32xf32, #tpu.memory_space<vmem>>) dst(%dma_wait3A_78 : memref<128x32xf32, #tpu.memory_space<hbm>>)
      %dma_wait3A_79 = arith.constant 0 : i32
      %dma_wait3A_80 = tpu.memref_slice %arg9[%mul3A_20, %dma_wait3A_79] : memref<160000x16xf32, #tpu.memory_space<hbm>> -> memref<128x16xf32, #tpu.memory_space<hbm>>
      %dma_wait3A_81 = arith.constant 0 : i32
      %dma_wait3A_82 = tpu.memref_slice %arg9[%mul3A_20, %dma_wait3A_81] : memref<160000x16xf32, #tpu.memory_space<hbm>> -> memref<128x16xf32, #tpu.memory_space<hbm>>
      tpu.wait_dma2 semaphore(%arg20 : memref<!tpu.dma_semaphore, #tpu.memory_space<semaphore_mem>>) src(%arg17 : memref<128x16xf32, #tpu.memory_space<vmem>>) dst(%dma_wait3A_82 : memref<128x16xf32, #tpu.memory_space<hbm>>)
      %dma_wait3A_83 = arith.constant 0 : i32
      %dma_wait3A_84 = tpu.memref_slice %arg10[%mul3A_20, %dma_wait3A_83] : memref<160000x32xf32, #tpu.memory_space<hbm>> -> memref<128x32xf32, #tpu.memory_space<hbm>>
      %dma_wait3A_85 = arith.constant 0 : i32
      %dma_wait3A_86 = tpu.memref_slice %arg10[%mul3A_20, %dma_wait3A_85] : memref<160000x32xf32, #tpu.memory_space<hbm>> -> memref<128x32xf32, #tpu.memory_space<hbm>>
      tpu.wait_dma2 semaphore(%arg20 : memref<!tpu.dma_semaphore, #tpu.memory_space<semaphore_mem>>) src(%arg18 : memref<128x32xf32, #tpu.memory_space<vmem>>) dst(%dma_wait3A_86 : memref<128x32xf32, #tpu.memory_space<hbm>>)
      %dma_wait3A_87 = arith.constant 0 : i32
      %dma_wait3A_88 = tpu.memref_slice %arg11[%mul3A_20, %dma_wait3A_87] : memref<160000x16xf32, #tpu.memory_space<hbm>> -> memref<128x16xf32, #tpu.memory_space<hbm>>
      %dma_wait3A_89 = arith.constant 0 : i32
      %dma_wait3A_90 = tpu.memref_slice %arg11[%mul3A_20, %dma_wait3A_89] : memref<160000x16xf32, #tpu.memory_space<hbm>> -> memref<128x16xf32, #tpu.memory_space<hbm>>
      tpu.wait_dma2 semaphore(%arg20 : memref<!tpu.dma_semaphore, #tpu.memory_space<semaphore_mem>>) src(%arg19 : memref<128x16xf32, #tpu.memory_space<vmem>>) dst(%dma_wait3A_90 : memref<128x16xf32, #tpu.memory_space<hbm>>)
    }
    return
  }
}

module attributes {stable_mosaic.version = 14 : i64} {
  func.func @_node_body(%arg0: i32, %arg1: memref<2000x12xf32, #tpu.memory_space<vmem>>, %arg2: memref<96x128xf32, #tpu.memory_space<vmem>>, %arg3: memref<1x128xf32, #tpu.memory_space<vmem>>, %arg4: memref<1x128xf32, #tpu.memory_space<vmem>>, %arg5: memref<1x128xf32, #tpu.memory_space<vmem>>, %arg6: memref<12x18xf32, #tpu.memory_space<vmem>>, %arg7: memref<12x18xf32, #tpu.memory_space<vmem>>, %arg8: memref<18x6xf32, #tpu.memory_space<vmem>>, %arg9: memref<6x96xf32, #tpu.memory_space<vmem>>, %arg10: memref<1x96xf32, #tpu.memory_space<vmem>>, %arg11: memref<12x3xf32, #tpu.memory_space<vmem>>, %arg12: memref<12x3xf32, #tpu.memory_space<vmem>>, %arg13: memref<3x3xf32, #tpu.memory_space<vmem>>, %arg14: memref<3x3xf32, #tpu.memory_space<vmem>>, %arg15: memref<3x9xf32, #tpu.memory_space<vmem>>, %arg16: memref<3x9xf32, #tpu.memory_space<vmem>>, %arg17: memref<3x9xf32, #tpu.memory_space<vmem>>, %arg18: memref<12x32xf32, #tpu.memory_space<vmem>>, %arg19: memref<9x32xf32, #tpu.memory_space<vmem>>, %arg20: memref<12x16xf32, #tpu.memory_space<vmem>>, %arg21: memref<2000x128xf32, #tpu.memory_space<vmem>>, %arg22: memref<2000x32xf32, #tpu.memory_space<vmem>>, %arg23: memref<2000x16xf32, #tpu.memory_space<vmem>>) attributes {dimension_semantics = [#tpu.dimension_semantics<arbitrary>], iteration_bounds = array<i64: 5>, scalar_prefetch = 0 : i64, scratch_operands = 0 : i64, tpu.core_type = #tpu.core_type<tc>, window_params = [{transform_indices = @transform_0, window_bounds = array<i64: 2000, 12>}, {pipeline_mode = #tpu.pipeline_mode<synchronous>, transform_indices = @transform_1, window_bounds = array<i64: 96, 128>}, {pipeline_mode = #tpu.pipeline_mode<synchronous>, transform_indices = @transform_2, window_bounds = array<i64: 1, 128>}, {pipeline_mode = #tpu.pipeline_mode<synchronous>, transform_indices = @transform_3, window_bounds = array<i64: 1, 128>}, {pipeline_mode = #tpu.pipeline_mode<synchronous>, transform_indices = @transform_4, window_bounds = array<i64: 1, 128>}, {pipeline_mode = #tpu.pipeline_mode<synchronous>, transform_indices = @transform_5, window_bounds = array<i64: 12, 18>}, {pipeline_mode = #tpu.pipeline_mode<synchronous>, transform_indices = @transform_6, window_bounds = array<i64: 12, 18>}, {pipeline_mode = #tpu.pipeline_mode<synchronous>, transform_indices = @transform_7, window_bounds = array<i64: 18, 6>}, {pipeline_mode = #tpu.pipeline_mode<synchronous>, transform_indices = @transform_8, window_bounds = array<i64: 6, 96>}, {pipeline_mode = #tpu.pipeline_mode<synchronous>, transform_indices = @transform_9, window_bounds = array<i64: 1, 96>}, {pipeline_mode = #tpu.pipeline_mode<synchronous>, transform_indices = @transform_10, window_bounds = array<i64: 12, 3>}, {pipeline_mode = #tpu.pipeline_mode<synchronous>, transform_indices = @transform_11, window_bounds = array<i64: 12, 3>}, {pipeline_mode = #tpu.pipeline_mode<synchronous>, transform_indices = @transform_12, window_bounds = array<i64: 3, 3>}, {pipeline_mode = #tpu.pipeline_mode<synchronous>, transform_indices = @transform_13, window_bounds = array<i64: 3, 3>}, {pipeline_mode = #tpu.pipeline_mode<synchronous>, transform_indices = @transform_14, window_bounds = array<i64: 3, 9>}, {pipeline_mode = #tpu.pipeline_mode<synchronous>, transform_indices = @transform_15, window_bounds = array<i64: 3, 9>}, {pipeline_mode = #tpu.pipeline_mode<synchronous>, transform_indices = @transform_16, window_bounds = array<i64: 3, 9>}, {pipeline_mode = #tpu.pipeline_mode<synchronous>, transform_indices = @transform_17, window_bounds = array<i64: 12, 32>}, {pipeline_mode = #tpu.pipeline_mode<synchronous>, transform_indices = @transform_18, window_bounds = array<i64: 9, 32>}, {pipeline_mode = #tpu.pipeline_mode<synchronous>, transform_indices = @transform_19, window_bounds = array<i64: 12, 16>}, {transform_indices = @transform_20, window_bounds = array<i64: 2000, 128>}, {transform_indices = @transform_21, window_bounds = array<i64: 2000, 32>}, {transform_indices = @transform_22, window_bounds = array<i64: 2000, 16>}]} {
    %get3A = arith.constant 0 : index
    %get3A_0 = arith.constant 0 : index
    %get3A_1 = vector.load %arg13[%get3A, %get3A_0] : memref<3x3xf32, #tpu.memory_space<vmem>>, vector<3x3xf32>
    %get3A_2 = arith.constant 0 : index
    %get3A_3 = arith.constant 0 : index
    %get3A_4 = vector.load %arg14[%get3A_2, %get3A_3] : memref<3x3xf32, #tpu.memory_space<vmem>>, vector<3x3xf32>
    %get3A_5 = arith.constant 0 : index
    %get3A_6 = arith.constant 0 : index
    %get3A_7 = vector.load %arg1[%get3A_5, %get3A_6] : memref<2000x12xf32, #tpu.memory_space<vmem>>, vector<2000x12xf32>
    %get3A_8 = arith.constant 0 : index
    %get3A_9 = arith.constant 0 : index
    %get3A_10 = vector.load %arg6[%get3A_8, %get3A_9] : memref<12x18xf32, #tpu.memory_space<vmem>>, vector<12x18xf32>
    %convert_element_type3A = arith.truncf %get3A_7 : vector<2000x12xf32> to vector<2000x12xbf16>
    %convert_element_type3A_11 = arith.extf %convert_element_type3A : vector<2000x12xbf16> to vector<2000x12xf32>
    %dot_general3A = arith.constant dense<0.000000e+00> : vector<2000x18xf32>
    %dot_general3A_12 = tpu.matmul %convert_element_type3A_11, %get3A_10, %dot_general3A {dimension_numbers = #tpu.dot_dimension_numbers<[1], [0], [0], [1], [0, 0, 1, 1], [], []>, transpose_lhs_hint = false} : vector<2000x12xf32>, vector<12x18xf32>, vector<2000x18xf32> -> vector<2000x18xf32>
    %sub3A = arith.subf %get3A_7, %convert_element_type3A_11 : vector<2000x12xf32>
    %dot_general3A_13 = arith.constant dense<0.000000e+00> : vector<2000x18xf32>
    %dot_general3A_14 = tpu.matmul %sub3A, %get3A_10, %dot_general3A_13 {dimension_numbers = #tpu.dot_dimension_numbers<[1], [0], [0], [1], [0, 0, 1, 1], [], []>, transpose_lhs_hint = false} : vector<2000x12xf32>, vector<12x18xf32>, vector<2000x18xf32> -> vector<2000x18xf32>
    %add3A = arith.addf %dot_general3A_12, %dot_general3A_14 : vector<2000x18xf32>
    %get3A_15 = arith.constant 0 : index
    %get3A_16 = arith.constant 0 : index
    %get3A_17 = vector.load %arg7[%get3A_15, %get3A_16] : memref<12x18xf32, #tpu.memory_space<vmem>>, vector<12x18xf32>
    %convert_element_type3A_18 = arith.truncf %get3A_7 : vector<2000x12xf32> to vector<2000x12xbf16>
    %convert_element_type3A_19 = arith.extf %convert_element_type3A_18 : vector<2000x12xbf16> to vector<2000x12xf32>
    %dot_general3A_20 = arith.constant dense<0.000000e+00> : vector<2000x18xf32>
    %dot_general3A_21 = tpu.matmul %convert_element_type3A_19, %get3A_17, %dot_general3A_20 {dimension_numbers = #tpu.dot_dimension_numbers<[1], [0], [0], [1], [0, 0, 1, 1], [], []>, transpose_lhs_hint = false} : vector<2000x12xf32>, vector<12x18xf32>, vector<2000x18xf32> -> vector<2000x18xf32>
    %sub3A_22 = arith.subf %get3A_7, %convert_element_type3A_19 : vector<2000x12xf32>
    %dot_general3A_23 = arith.constant dense<0.000000e+00> : vector<2000x18xf32>
    %dot_general3A_24 = tpu.matmul %sub3A_22, %get3A_17, %dot_general3A_23 {dimension_numbers = #tpu.dot_dimension_numbers<[1], [0], [0], [1], [0, 0, 1, 1], [], []>, transpose_lhs_hint = false} : vector<2000x12xf32>, vector<12x18xf32>, vector<2000x18xf32> -> vector<2000x18xf32>
    %add3A_25 = arith.addf %dot_general3A_21, %dot_general3A_24 : vector<2000x18xf32>
    %sub3A_26 = arith.subf %add3A, %add3A_25 : vector<2000x18xf32>
    %mul3A = arith.mulf %sub3A_26, %sub3A_26 : vector<2000x18xf32>
    %get3A_27 = arith.constant 0 : index
    %get3A_28 = arith.constant 0 : index
    %get3A_29 = vector.load %arg8[%get3A_27, %get3A_28] : memref<18x6xf32, #tpu.memory_space<vmem>>, vector<18x6xf32>
    %convert_element_type3A_30 = arith.truncf %mul3A : vector<2000x18xf32> to vector<2000x18xbf16>
    %convert_element_type3A_31 = arith.extf %convert_element_type3A_30 : vector<2000x18xbf16> to vector<2000x18xf32>
    %dot_general3A_32 = arith.constant dense<0.000000e+00> : vector<2000x6xf32>
    %dot_general3A_33 = tpu.matmul %convert_element_type3A_31, %get3A_29, %dot_general3A_32 {dimension_numbers = #tpu.dot_dimension_numbers<[1], [0], [0], [1], [0, 0, 1, 1], [], []>, transpose_lhs_hint = false} : vector<2000x18xf32>, vector<18x6xf32>, vector<2000x6xf32> -> vector<2000x6xf32>
    %sub3A_34 = arith.subf %mul3A, %convert_element_type3A_31 : vector<2000x18xf32>
    %dot_general3A_35 = arith.constant dense<0.000000e+00> : vector<2000x6xf32>
    %dot_general3A_36 = tpu.matmul %sub3A_34, %get3A_29, %dot_general3A_35 {dimension_numbers = #tpu.dot_dimension_numbers<[1], [0], [0], [1], [0, 0, 1, 1], [], []>, transpose_lhs_hint = false} : vector<2000x18xf32>, vector<18x6xf32>, vector<2000x6xf32> -> vector<2000x6xf32>
    %add3A_37 = arith.addf %dot_general3A_33, %dot_general3A_36 : vector<2000x6xf32>
    %sqrt3A = math.sqrt %add3A_37 : vector<2000x6xf32>
    %get3A_38 = arith.constant 0 : index
    %get3A_39 = arith.constant 0 : index
    %get3A_40 = vector.load %arg9[%get3A_38, %get3A_39] : memref<6x96xf32, #tpu.memory_space<vmem>>, vector<6x96xf32>
    %convert_element_type3A_41 = arith.truncf %sqrt3A : vector<2000x6xf32> to vector<2000x6xbf16>
    %convert_element_type3A_42 = arith.extf %convert_element_type3A_41 : vector<2000x6xbf16> to vector<2000x6xf32>
    %dot_general3A_43 = arith.constant dense<0.000000e+00> : vector<2000x96xf32>
    %dot_general3A_44 = tpu.matmul %convert_element_type3A_42, %get3A_40, %dot_general3A_43 {dimension_numbers = #tpu.dot_dimension_numbers<[1], [0], [0], [1], [0, 0, 1, 1], [], []>, transpose_lhs_hint = false} : vector<2000x6xf32>, vector<6x96xf32>, vector<2000x96xf32> -> vector<2000x96xf32>
    %sub3A_45 = arith.subf %sqrt3A, %convert_element_type3A_42 : vector<2000x6xf32>
    %dot_general3A_46 = arith.constant dense<0.000000e+00> : vector<2000x96xf32>
    %dot_general3A_47 = tpu.matmul %sub3A_45, %get3A_40, %dot_general3A_46 {dimension_numbers = #tpu.dot_dimension_numbers<[1], [0], [0], [1], [0, 0, 1, 1], [], []>, transpose_lhs_hint = false} : vector<2000x6xf32>, vector<6x96xf32>, vector<2000x96xf32> -> vector<2000x96xf32>
    %add3A_48 = arith.addf %dot_general3A_44, %dot_general3A_47 : vector<2000x96xf32>
    %get3A_49 = arith.constant 0 : index
    %get3A_50 = arith.constant 0 : index
    %get3A_51 = vector.load %arg10[%get3A_49, %get3A_50] : memref<1x96xf32, #tpu.memory_space<vmem>>, vector<1x96xf32>
    %sub3A_52 = vector.broadcast %get3A_51 : vector<1x96xf32> to vector<2000x96xf32>
    %sub3A_53 = arith.subf %add3A_48, %sub3A_52 : vector<2000x96xf32>
    %mul3A_54 = arith.constant 8.000000e-01 : f32
    %mul3A_55 = vector.broadcast %mul3A_54 : f32 to vector<2000x96xf32>
    %mul3A_56 = arith.mulf %sub3A_53, %mul3A_55 : vector<2000x96xf32>
    %integer_pow3A = arith.mulf %mul3A_56, %mul3A_56 : vector<2000x96xf32>
    %neg3A = arith.constant 0.000000e+00 : f32
    %neg3A_57 = vector.broadcast %neg3A : f32 to vector<2000x96xf32>
    %neg3A_58 = arith.subf %neg3A_57, %integer_pow3A : vector<2000x96xf32>
    %exp3A = math.exp %neg3A_58 : vector<2000x96xf32>
    %get3A_59 = arith.constant 0 : index
    %get3A_60 = arith.constant 0 : index
    %get3A_61 = vector.load %arg2[%get3A_59, %get3A_60] : memref<96x128xf32, #tpu.memory_space<vmem>>, vector<96x128xf32>
    %dot_general3A_62 = arith.constant dense<0.000000e+00> : vector<2000x128xf32>
    %dot_general3A_63 = tpu.matmul %exp3A, %get3A_61, %dot_general3A_62 {dimension_numbers = #tpu.dot_dimension_numbers<[1], [0], [0], [1], [0, 0, 1, 1], [], []>, transpose_lhs_hint = false} : vector<2000x96xf32>, vector<96x128xf32>, vector<2000x128xf32> -> vector<2000x128xf32>
    %get3A_64 = arith.constant 0 : index
    %get3A_65 = arith.constant 0 : index
    %get3A_66 = vector.load %arg3[%get3A_64, %get3A_65] : memref<1x128xf32, #tpu.memory_space<vmem>>, vector<1x128xf32>
    %add3A_67 = vector.broadcast %get3A_66 : vector<1x128xf32> to vector<2000x128xf32>
    %add3A_68 = arith.addf %dot_general3A_63, %add3A_67 : vector<2000x128xf32>
    %reduce_sum3A = arith.constant dense<0.000000e+00> : vector<2000xf32>
    %reduce_sum3A_69 = vector.multi_reduction <add>, %add3A_68, %reduce_sum3A [1] : vector<2000x128xf32> to vector<2000xf32>
    %broadcast_in_dim3A = vector.shape_cast %reduce_sum3A_69 : vector<2000xf32> to vector<2000x1xf32>
    %div3A = arith.constant 1.280000e+02 : f32
    %div3A_70 = vector.broadcast %div3A : f32 to vector<2000x1xf32>
    %div3A_71 = arith.divf %broadcast_in_dim3A, %div3A_70 : vector<2000x1xf32>
    %sub3A_72 = vector.broadcast %div3A_71 : vector<2000x1xf32> to vector<2000x128xf32>
    %sub3A_73 = arith.subf %add3A_68, %sub3A_72 : vector<2000x128xf32>
    %mul3A_74 = arith.mulf %sub3A_73, %sub3A_73 : vector<2000x128xf32>
    %reduce_sum3A_75 = arith.constant dense<0.000000e+00> : vector<2000xf32>
    %reduce_sum3A_76 = vector.multi_reduction <add>, %mul3A_74, %reduce_sum3A_75 [1] : vector<2000x128xf32> to vector<2000xf32>
    %broadcast_in_dim3A_77 = vector.shape_cast %reduce_sum3A_76 : vector<2000xf32> to vector<2000x1xf32>
    %mul3A_78 = arith.constant 0.00787401571 : f32
    %mul3A_79 = vector.broadcast %mul3A_78 : f32 to vector<2000x1xf32>
    %mul3A_80 = arith.mulf %broadcast_in_dim3A_77, %mul3A_79 : vector<2000x1xf32>
    %add3A_81 = arith.constant 9.99999997E-7 : f32
    %add3A_82 = vector.broadcast %add3A_81 : f32 to vector<2000x1xf32>
    %add3A_83 = arith.addf %mul3A_80, %add3A_82 : vector<2000x1xf32>
    %sqrt3A_84 = math.sqrt %add3A_83 : vector<2000x1xf32>
    %get3A_85 = arith.constant 0 : index
    %get3A_86 = arith.constant 0 : index
    %get3A_87 = vector.load %arg4[%get3A_85, %get3A_86] : memref<1x128xf32, #tpu.memory_space<vmem>>, vector<1x128xf32>
    %mul3A_88 = vector.broadcast %get3A_87 : vector<1x128xf32> to vector<2000x128xf32>
    %mul3A_89 = arith.mulf %mul3A_88, %sub3A_73 : vector<2000x128xf32>
    %add3A_90 = arith.constant 9.99999997E-7 : f32
    %add3A_91 = vector.broadcast %add3A_90 : f32 to vector<2000x1xf32>
    %add3A_92 = arith.addf %sqrt3A_84, %add3A_91 : vector<2000x1xf32>
    %div3A_93 = vector.broadcast %add3A_92 : vector<2000x1xf32> to vector<2000x128xf32>
    %div3A_94 = arith.divf %mul3A_89, %div3A_93 : vector<2000x128xf32>
    %get3A_95 = arith.constant 0 : index
    %get3A_96 = arith.constant 0 : index
    %get3A_97 = vector.load %arg5[%get3A_95, %get3A_96] : memref<1x128xf32, #tpu.memory_space<vmem>>, vector<1x128xf32>
    %add3A_98 = vector.broadcast %get3A_97 : vector<1x128xf32> to vector<2000x128xf32>
    %add3A_99 = arith.addf %div3A_94, %add3A_98 : vector<2000x128xf32>
    %swap3A = arith.constant 0 : index
    %swap3A_100 = arith.constant 0 : index
    %swap3A_101 = vector.load %arg21[%swap3A, %swap3A_100] : memref<2000x128xf32, #tpu.memory_space<vmem>>, vector<2000x128xf32>
    tpu.vector_store %arg21[%swap3A, %swap3A_100], %add3A_99 {strides = array<i32>} : memref<2000x128xf32, #tpu.memory_space<vmem>>, vector<2000x128xf32>,
    %get3A_102 = arith.constant 0 : index
    %get3A_103 = arith.constant 0 : index
    %get3A_104 = vector.load %arg11[%get3A_102, %get3A_103] : memref<12x3xf32, #tpu.memory_space<vmem>>, vector<12x3xf32>
    %dot_general3A_105 = arith.constant dense<0.000000e+00> : vector<2000x3xf32>
    %dot_general3A_106 = tpu.matmul %get3A_7, %get3A_104, %dot_general3A_105 {dimension_numbers = #tpu.dot_dimension_numbers<[1], [0], [0], [1], [0, 0, 1, 1], [], []>, transpose_lhs_hint = false} : vector<2000x12xf32>, vector<12x3xf32>, vector<2000x3xf32> -> vector<2000x3xf32>
    %mul3A_107 = arith.mulf %dot_general3A_106, %dot_general3A_106 : vector<2000x3xf32>
    %reduce_sum3A_108 = arith.constant dense<0.000000e+00> : vector<2000xf32>
    %reduce_sum3A_109 = vector.multi_reduction <add>, %mul3A_107, %reduce_sum3A_108 [1] : vector<2000x3xf32> to vector<2000xf32>
    %broadcast_in_dim3A_110 = vector.shape_cast %reduce_sum3A_109 : vector<2000xf32> to vector<2000x1xf32>
    %sqrt3A_111 = math.sqrt %broadcast_in_dim3A_110 : vector<2000x1xf32>
    %eq3A = arith.constant 0.000000e+00 : f32
    %eq3A_112 = vector.broadcast %eq3A : f32 to vector<2000x1xf32>
    %eq3A_113 = arith.cmpf oeq, %sqrt3A_111, %eq3A_112 : vector<2000x1xf32>
    %jit3A = arith.constant 1.000000e+00 : f32
    %broadcast_in_dim3A_114 = vector.broadcast %jit3A : f32 to vector<2000x1xf32>
    %select_n3A = arith.select %eq3A_113, %broadcast_in_dim3A_114, %sqrt3A_111 : vector<2000x1xi1>, vector<2000x1xf32>
    %div3A_115 = vector.broadcast %select_n3A : vector<2000x1xf32> to vector<2000x3xf32>
    %div3A_116 = arith.divf %dot_general3A_106, %div3A_115 : vector<2000x3xf32>
    %get3A_117 = arith.constant 0 : index
    %get3A_118 = arith.constant 0 : index
    %get3A_119 = vector.load %arg12[%get3A_117, %get3A_118] : memref<12x3xf32, #tpu.memory_space<vmem>>, vector<12x3xf32>
    %dot_general3A_120 = arith.constant dense<0.000000e+00> : vector<2000x3xf32>
    %dot_general3A_121 = tpu.matmul %get3A_7, %get3A_119, %dot_general3A_120 {dimension_numbers = #tpu.dot_dimension_numbers<[1], [0], [0], [1], [0, 0, 1, 1], [], []>, transpose_lhs_hint = false} : vector<2000x12xf32>, vector<12x3xf32>, vector<2000x3xf32> -> vector<2000x3xf32>
    %mul3A_122 = arith.mulf %dot_general3A_121, %dot_general3A_121 : vector<2000x3xf32>
    %reduce_sum3A_123 = arith.constant dense<0.000000e+00> : vector<2000xf32>
    %reduce_sum3A_124 = vector.multi_reduction <add>, %mul3A_122, %reduce_sum3A_123 [1] : vector<2000x3xf32> to vector<2000xf32>
    %broadcast_in_dim3A_125 = vector.shape_cast %reduce_sum3A_124 : vector<2000xf32> to vector<2000x1xf32>
    %sqrt3A_126 = math.sqrt %broadcast_in_dim3A_125 : vector<2000x1xf32>
    %eq3A_127 = arith.constant 0.000000e+00 : f32
    %eq3A_128 = vector.broadcast %eq3A_127 : f32 to vector<2000x1xf32>
    %eq3A_129 = arith.cmpf oeq, %sqrt3A_126, %eq3A_128 : vector<2000x1xf32>
    %jit3A_130 = arith.constant 1.000000e+00 : f32
    %broadcast_in_dim3A_131 = vector.broadcast %jit3A_130 : f32 to vector<2000x1xf32>
    %select_n3A_132 = arith.select %eq3A_129, %broadcast_in_dim3A_131, %sqrt3A_126 : vector<2000x1xi1>, vector<2000x1xf32>
    %div3A_133 = vector.broadcast %select_n3A_132 : vector<2000x1xf32> to vector<2000x3xf32>
    %div3A_134 = arith.divf %dot_general3A_121, %div3A_133 : vector<2000x3xf32>
    %dot_general3A_135 = arith.constant dense<0.000000e+00> : vector<2000x3xf32>
    %dot_general3A_136 = tpu.matmul %div3A_116, %get3A_1, %dot_general3A_135 {dimension_numbers = #tpu.dot_dimension_numbers<[1], [0], [0], [1], [0, 0, 1, 1], [], []>, transpose_lhs_hint = false} : vector<2000x3xf32>, vector<3x3xf32>, vector<2000x3xf32> -> vector<2000x3xf32>
    %dot_general3A_137 = arith.constant dense<0.000000e+00> : vector<2000x3xf32>
    %dot_general3A_138 = tpu.matmul %div3A_134, %get3A_4, %dot_general3A_137 {dimension_numbers = #tpu.dot_dimension_numbers<[1], [0], [0], [1], [0, 0, 1, 1], [], []>, transpose_lhs_hint = false} : vector<2000x3xf32>, vector<3x3xf32>, vector<2000x3xf32> -> vector<2000x3xf32>
    %mul3A_139 = arith.mulf %dot_general3A_136, %dot_general3A_138 : vector<2000x3xf32>
    %dot_general3A_140 = arith.constant dense<0.000000e+00> : vector<2000x3xf32>
    %dot_general3A_141 = tpu.matmul %div3A_116, %get3A_4, %dot_general3A_140 {dimension_numbers = #tpu.dot_dimension_numbers<[1], [0], [0], [1], [0, 0, 1, 1], [], []>, transpose_lhs_hint = false} : vector<2000x3xf32>, vector<3x3xf32>, vector<2000x3xf32> -> vector<2000x3xf32>
    %dot_general3A_142 = arith.constant dense<0.000000e+00> : vector<2000x3xf32>
    %dot_general3A_143 = tpu.matmul %div3A_134, %get3A_1, %dot_general3A_142 {dimension_numbers = #tpu.dot_dimension_numbers<[1], [0], [0], [1], [0, 0, 1, 1], [], []>, transpose_lhs_hint = false} : vector<2000x3xf32>, vector<3x3xf32>, vector<2000x3xf32> -> vector<2000x3xf32>
    %mul3A_144 = arith.mulf %dot_general3A_141, %dot_general3A_143 : vector<2000x3xf32>
    %sub3A_145 = arith.subf %mul3A_139, %mul3A_144 : vector<2000x3xf32>
    %mul3A_146 = arith.mulf %sub3A_145, %sub3A_145 : vector<2000x3xf32>
    %reduce_sum3A_147 = arith.constant dense<0.000000e+00> : vector<2000xf32>
    %reduce_sum3A_148 = vector.multi_reduction <add>, %mul3A_146, %reduce_sum3A_147 [1] : vector<2000x3xf32> to vector<2000xf32>
    %broadcast_in_dim3A_149 = vector.shape_cast %reduce_sum3A_148 : vector<2000xf32> to vector<2000x1xf32>
    %sqrt3A_150 = math.sqrt %broadcast_in_dim3A_149 : vector<2000x1xf32>
    %eq3A_151 = arith.constant 0.000000e+00 : f32
    %eq3A_152 = vector.broadcast %eq3A_151 : f32 to vector<2000x1xf32>
    %eq3A_153 = arith.cmpf oeq, %sqrt3A_150, %eq3A_152 : vector<2000x1xf32>
    %jit3A_154 = arith.constant 1.000000e+00 : f32
    %broadcast_in_dim3A_155 = vector.broadcast %jit3A_154 : f32 to vector<2000x1xf32>
    %select_n3A_156 = arith.select %eq3A_153, %broadcast_in_dim3A_155, %sqrt3A_150 : vector<2000x1xi1>, vector<2000x1xf32>
    %div3A_157 = vector.broadcast %select_n3A_156 : vector<2000x1xf32> to vector<2000x3xf32>
    %div3A_158 = arith.divf %sub3A_145, %div3A_157 : vector<2000x3xf32>
    %sub3A_159 = arith.subf %div3A_116, %div3A_134 : vector<2000x3xf32>
    %mul3A_160 = arith.mulf %sub3A_159, %sub3A_159 : vector<2000x3xf32>
    %reduce_sum3A_161 = arith.constant dense<0.000000e+00> : vector<2000xf32>
    %reduce_sum3A_162 = vector.multi_reduction <add>, %mul3A_160, %reduce_sum3A_161 [1] : vector<2000x3xf32> to vector<2000xf32>
    %broadcast_in_dim3A_163 = vector.shape_cast %reduce_sum3A_162 : vector<2000xf32> to vector<2000x1xf32>
    %sqrt3A_164 = math.sqrt %broadcast_in_dim3A_163 : vector<2000x1xf32>
    %eq3A_165 = arith.constant 0.000000e+00 : f32
    %eq3A_166 = vector.broadcast %eq3A_165 : f32 to vector<2000x1xf32>
    %eq3A_167 = arith.cmpf oeq, %sqrt3A_164, %eq3A_166 : vector<2000x1xf32>
    %jit3A_168 = arith.constant 1.000000e+00 : f32
    %broadcast_in_dim3A_169 = vector.broadcast %jit3A_168 : f32 to vector<2000x1xf32>
    %select_n3A_170 = arith.select %eq3A_167, %broadcast_in_dim3A_169, %sqrt3A_164 : vector<2000x1xi1>, vector<2000x1xf32>
    %div3A_171 = vector.broadcast %select_n3A_170 : vector<2000x1xf32> to vector<2000x3xf32>
    %div3A_172 = arith.divf %sub3A_159, %div3A_171 : vector<2000x3xf32>
    %dot_general3A_173 = arith.constant dense<0.000000e+00> : vector<2000x3xf32>
    %dot_general3A_174 = tpu.matmul %div3A_172, %get3A_1, %dot_general3A_173 {dimension_numbers = #tpu.dot_dimension_numbers<[1], [0], [0], [1], [0, 0, 1, 1], [], []>, transpose_lhs_hint = false} : vector<2000x3xf32>, vector<3x3xf32>, vector<2000x3xf32> -> vector<2000x3xf32>
    %dot_general3A_175 = arith.constant dense<0.000000e+00> : vector<2000x3xf32>
    %dot_general3A_176 = tpu.matmul %div3A_158, %get3A_4, %dot_general3A_175 {dimension_numbers = #tpu.dot_dimension_numbers<[1], [0], [0], [1], [0, 0, 1, 1], [], []>, transpose_lhs_hint = false} : vector<2000x3xf32>, vector<3x3xf32>, vector<2000x3xf32> -> vector<2000x3xf32>
    %mul3A_177 = arith.mulf %dot_general3A_174, %dot_general3A_176 : vector<2000x3xf32>
    %dot_general3A_178 = arith.constant dense<0.000000e+00> : vector<2000x3xf32>
    %dot_general3A_179 = tpu.matmul %div3A_172, %get3A_4, %dot_general3A_178 {dimension_numbers = #tpu.dot_dimension_numbers<[1], [0], [0], [1], [0, 0, 1, 1], [], []>, transpose_lhs_hint = false} : vector<2000x3xf32>, vector<3x3xf32>, vector<2000x3xf32> -> vector<2000x3xf32>
    %dot_general3A_180 = arith.constant dense<0.000000e+00> : vector<2000x3xf32>
    %dot_general3A_181 = tpu.matmul %div3A_158, %get3A_1, %dot_general3A_180 {dimension_numbers = #tpu.dot_dimension_numbers<[1], [0], [0], [1], [0, 0, 1, 1], [], []>, transpose_lhs_hint = false} : vector<2000x3xf32>, vector<3x3xf32>, vector<2000x3xf32> -> vector<2000x3xf32>
    %mul3A_182 = arith.mulf %dot_general3A_179, %dot_general3A_181 : vector<2000x3xf32>
    %sub3A_183 = arith.subf %mul3A_177, %mul3A_182 : vector<2000x3xf32>
    %get3A_184 = arith.constant 0 : index
    %get3A_185 = arith.constant 0 : index
    %get3A_186 = vector.load %arg15[%get3A_184, %get3A_185] : memref<3x9xf32, #tpu.memory_space<vmem>>, vector<3x9xf32>
    %dot_general3A_187 = arith.constant dense<0.000000e+00> : vector<2000x9xf32>
    %dot_general3A_188 = tpu.matmul %div3A_172, %get3A_186, %dot_general3A_187 {dimension_numbers = #tpu.dot_dimension_numbers<[1], [0], [0], [1], [0, 0, 1, 1], [], []>, transpose_lhs_hint = false} : vector<2000x3xf32>, vector<3x9xf32>, vector<2000x9xf32> -> vector<2000x9xf32>
    %get3A_189 = arith.constant 0 : index
    %get3A_190 = arith.constant 0 : index
    %get3A_191 = vector.load %arg16[%get3A_189, %get3A_190] : memref<3x9xf32, #tpu.memory_space<vmem>>, vector<3x9xf32>
    %dot_general3A_192 = arith.constant dense<0.000000e+00> : vector<2000x9xf32>
    %dot_general3A_193 = tpu.matmul %div3A_158, %get3A_191, %dot_general3A_192 {dimension_numbers = #tpu.dot_dimension_numbers<[1], [0], [0], [1], [0, 0, 1, 1], [], []>, transpose_lhs_hint = false} : vector<2000x3xf32>, vector<3x9xf32>, vector<2000x9xf32> -> vector<2000x9xf32>
    %add3A_194 = arith.addf %dot_general3A_188, %dot_general3A_193 : vector<2000x9xf32>
    %get3A_195 = arith.constant 0 : index
    %get3A_196 = arith.constant 0 : index
    %get3A_197 = vector.load %arg17[%get3A_195, %get3A_196] : memref<3x9xf32, #tpu.memory_space<vmem>>, vector<3x9xf32>
    %dot_general3A_198 = arith.constant dense<0.000000e+00> : vector<2000x9xf32>
    %dot_general3A_199 = tpu.matmul %sub3A_183, %get3A_197, %dot_general3A_198 {dimension_numbers = #tpu.dot_dimension_numbers<[1], [0], [0], [1], [0, 0, 1, 1], [], []>, transpose_lhs_hint = false} : vector<2000x3xf32>, vector<3x9xf32>, vector<2000x9xf32> -> vector<2000x9xf32>
    %add3A_200 = arith.addf %add3A_194, %dot_general3A_199 : vector<2000x9xf32>
    %mul3A_201 = arith.constant 2000 : i32
    %mul3A_202 = arith.muli %mul3A_201, %arg0 : i32
    %iota3A = tpu.iota {dimensions = array<i32: 0>} : vector<2000x1xi32>
    %add3A_203 = vector.broadcast %mul3A_202 : i32 to vector<2000x1xi32>
    %add3A_204 = arith.addi %add3A_203, %iota3A : vector<2000x1xi32>
    %lt3A = arith.constant 9999 : i32
    %lt3A_205 = vector.broadcast %lt3A : i32 to vector<2000x1xi32>
    %lt3A_206 = arith.cmpi slt, %add3A_204, %lt3A_205 : vector<2000x1xi32>
    %jit3A_207 = arith.constant 0.000000e+00 : f32
    %broadcast_in_dim3A_208 = vector.shape_cast %lt3A_206 : vector<2000x1xi1> to vector<2000x1xi1>
    %broadcast_in_dim3A_209 = vector.broadcast %broadcast_in_dim3A_208 : vector<2000x1xi1> to vector<2000x9xi1>
    %broadcast_in_dim3A_210 = vector.broadcast %jit3A_207 : f32 to vector<2000x9xf32>
    %select_n3A_211 = arith.select %broadcast_in_dim3A_209, %add3A_200, %broadcast_in_dim3A_210 : vector<2000x9xi1>, vector<2000x9xf32>
    %get3A_212 = arith.constant 0 : index
    %get3A_213 = arith.constant 0 : index
    %get3A_214 = vector.load %arg18[%get3A_212, %get3A_213] : memref<12x32xf32, #tpu.memory_space<vmem>>, vector<12x32xf32>
    %convert_element_type3A_215 = arith.truncf %get3A_7 : vector<2000x12xf32> to vector<2000x12xbf16>
    %convert_element_type3A_216 = arith.extf %convert_element_type3A_215 : vector<2000x12xbf16> to vector<2000x12xf32>
    %dot_general3A_217 = arith.constant dense<0.000000e+00> : vector<2000x32xf32>
    %dot_general3A_218 = tpu.matmul %convert_element_type3A_216, %get3A_214, %dot_general3A_217 {dimension_numbers = #tpu.dot_dimension_numbers<[1], [0], [0], [1], [0, 0, 1, 1], [], []>, transpose_lhs_hint = false} : vector<2000x12xf32>, vector<12x32xf32>, vector<2000x32xf32> -> vector<2000x32xf32>
    %sub3A_219 = arith.subf %get3A_7, %convert_element_type3A_216 : vector<2000x12xf32>
    %dot_general3A_220 = arith.constant dense<0.000000e+00> : vector<2000x32xf32>
    %dot_general3A_221 = tpu.matmul %sub3A_219, %get3A_214, %dot_general3A_220 {dimension_numbers = #tpu.dot_dimension_numbers<[1], [0], [0], [1], [0, 0, 1, 1], [], []>, transpose_lhs_hint = false} : vector<2000x12xf32>, vector<12x32xf32>, vector<2000x32xf32> -> vector<2000x32xf32>
    %add3A_222 = arith.addf %dot_general3A_218, %dot_general3A_221 : vector<2000x32xf32>
    %get3A_223 = arith.constant 0 : index
    %get3A_224 = arith.constant 0 : index
    %get3A_225 = vector.load %arg19[%get3A_223, %get3A_224] : memref<9x32xf32, #tpu.memory_space<vmem>>, vector<9x32xf32>
    %dot_general3A_226 = arith.constant dense<0.000000e+00> : vector<2000x32xf32>
    %dot_general3A_227 = tpu.matmul %select_n3A_211, %get3A_225, %dot_general3A_226 {dimension_numbers = #tpu.dot_dimension_numbers<[1], [0], [0], [1], [0, 0, 1, 1], [], []>, transpose_lhs_hint = false} : vector<2000x9xf32>, vector<9x32xf32>, vector<2000x32xf32> -> vector<2000x32xf32>
    %add3A_228 = arith.addf %add3A_222, %dot_general3A_227 : vector<2000x32xf32>
    %swap3A_229 = arith.constant 0 : index
    %swap3A_230 = arith.constant 0 : index
    %swap3A_231 = vector.load %arg22[%swap3A_229, %swap3A_230] : memref<2000x32xf32, #tpu.memory_space<vmem>>, vector<2000x32xf32>
    tpu.vector_store %arg22[%swap3A_229, %swap3A_230], %add3A_228 {strides = array<i32>} : memref<2000x32xf32, #tpu.memory_space<vmem>>, vector<2000x32xf32>,
    %get3A_232 = arith.constant 0 : index
    %get3A_233 = arith.constant 0 : index
    %get3A_234 = vector.load %arg20[%get3A_232, %get3A_233] : memref<12x16xf32, #tpu.memory_space<vmem>>, vector<12x16xf32>
    %convert_element_type3A_235 = arith.truncf %get3A_7 : vector<2000x12xf32> to vector<2000x12xbf16>
    %convert_element_type3A_236 = arith.extf %convert_element_type3A_235 : vector<2000x12xbf16> to vector<2000x12xf32>
    %dot_general3A_237 = arith.constant dense<0.000000e+00> : vector<2000x16xf32>
    %dot_general3A_238 = tpu.matmul %convert_element_type3A_236, %get3A_234, %dot_general3A_237 {dimension_numbers = #tpu.dot_dimension_numbers<[1], [0], [0], [1], [0, 0, 1, 1], [], []>, transpose_lhs_hint = false} : vector<2000x12xf32>, vector<12x16xf32>, vector<2000x16xf32> -> vector<2000x16xf32>
    %sub3A_239 = arith.subf %get3A_7, %convert_element_type3A_236 : vector<2000x12xf32>
    %dot_general3A_240 = arith.constant dense<0.000000e+00> : vector<2000x16xf32>
    %dot_general3A_241 = tpu.matmul %sub3A_239, %get3A_234, %dot_general3A_240 {dimension_numbers = #tpu.dot_dimension_numbers<[1], [0], [0], [1], [0, 0, 1, 1], [], []>, transpose_lhs_hint = false} : vector<2000x12xf32>, vector<12x16xf32>, vector<2000x16xf32> -> vector<2000x16xf32>
    %add3A_242 = arith.addf %dot_general3A_238, %dot_general3A_241 : vector<2000x16xf32>
    %swap3A_243 = arith.constant 0 : index
    %swap3A_244 = arith.constant 0 : index
    %swap3A_245 = vector.load %arg23[%swap3A_243, %swap3A_244] : memref<2000x16xf32, #tpu.memory_space<vmem>>, vector<2000x16xf32>
    tpu.vector_store %arg23[%swap3A_243, %swap3A_244], %add3A_242 {strides = array<i32>} : memref<2000x16xf32, #tpu.memory_space<vmem>>, vector<2000x16xf32>,
    return
  }
  func.func @transform_0(%arg0: i32) -> (i32, i32) {
    %c0_i32 = arith.constant 0 : i32
    %c0_i32_0 = arith.constant 0 : i32
    return %arg0, %c0_i32 : i32, i32
  }
  func.func @transform_1(%arg0: i32) -> (i32, i32) {
    %c0_i32 = arith.constant 0 : i32
    %c0_i32_0 = arith.constant 0 : i32
    %c0_i32_1 = arith.constant 0 : i32
    return %c0_i32, %c0_i32_0 : i32, i32
  }
  func.func @transform_2(%arg0: i32) -> (i32, i32) {
    %c0_i32 = arith.constant 0 : i32
    %c0_i32_0 = arith.constant 0 : i32
    %c0_i32_1 = arith.constant 0 : i32
    return %c0_i32, %c0_i32_0 : i32, i32
  }
  func.func @transform_3(%arg0: i32) -> (i32, i32) {
    %c0_i32 = arith.constant 0 : i32
    %c0_i32_0 = arith.constant 0 : i32
    %c0_i32_1 = arith.constant 0 : i32
    return %c0_i32, %c0_i32_0 : i32, i32
  }
  func.func @transform_4(%arg0: i32) -> (i32, i32) {
    %c0_i32 = arith.constant 0 : i32
    %c0_i32_0 = arith.constant 0 : i32
    %c0_i32_1 = arith.constant 0 : i32
    return %c0_i32, %c0_i32_0 : i32, i32
  }
  func.func @transform_5(%arg0: i32) -> (i32, i32) {
    %c0_i32 = arith.constant 0 : i32
    %c0_i32_0 = arith.constant 0 : i32
    %c0_i32_1 = arith.constant 0 : i32
    return %c0_i32, %c0_i32_0 : i32, i32
  }
  func.func @transform_6(%arg0: i32) -> (i32, i32) {
    %c0_i32 = arith.constant 0 : i32
    %c0_i32_0 = arith.constant 0 : i32
    %c0_i32_1 = arith.constant 0 : i32
    return %c0_i32, %c0_i32_0 : i32, i32
  }
  func.func @transform_7(%arg0: i32) -> (i32, i32) {
    %c0_i32 = arith.constant 0 : i32
    %c0_i32_0 = arith.constant 0 : i32
    %c0_i32_1 = arith.constant 0 : i32
    return %c0_i32, %c0_i32_0 : i32, i32
  }
  func.func @transform_8(%arg0: i32) -> (i32, i32) {
    %c0_i32 = arith.constant 0 : i32
    %c0_i32_0 = arith.constant 0 : i32
    %c0_i32_1 = arith.constant 0 : i32
    return %c0_i32, %c0_i32_0 : i32, i32
  }
  func.func @transform_9(%arg0: i32) -> (i32, i32) {
    %c0_i32 = arith.constant 0 : i32
    %c0_i32_0 = arith.constant 0 : i32
    %c0_i32_1 = arith.constant 0 : i32
    return %c0_i32, %c0_i32_0 : i32, i32
  }
  func.func @transform_10(%arg0: i32) -> (i32, i32) {
    %c0_i32 = arith.constant 0 : i32
    %c0_i32_0 = arith.constant 0 : i32
    %c0_i32_1 = arith.constant 0 : i32
    return %c0_i32, %c0_i32_0 : i32, i32
  }
  func.func @transform_11(%arg0: i32) -> (i32, i32) {
    %c0_i32 = arith.constant 0 : i32
    %c0_i32_0 = arith.constant 0 : i32
    %c0_i32_1 = arith.constant 0 : i32
    return %c0_i32, %c0_i32_0 : i32, i32
  }
  func.func @transform_12(%arg0: i32) -> (i32, i32) {
    %c0_i32 = arith.constant 0 : i32
    %c0_i32_0 = arith.constant 0 : i32
    %c0_i32_1 = arith.constant 0 : i32
    return %c0_i32, %c0_i32_0 : i32, i32
  }
  func.func @transform_13(%arg0: i32) -> (i32, i32) {
    %c0_i32 = arith.constant 0 : i32
    %c0_i32_0 = arith.constant 0 : i32
    %c0_i32_1 = arith.constant 0 : i32
    return %c0_i32, %c0_i32_0 : i32, i32
  }
  func.func @transform_14(%arg0: i32) -> (i32, i32) {
    %c0_i32 = arith.constant 0 : i32
    %c0_i32_0 = arith.constant 0 : i32
    %c0_i32_1 = arith.constant 0 : i32
    return %c0_i32, %c0_i32_0 : i32, i32
  }
  func.func @transform_15(%arg0: i32) -> (i32, i32) {
    %c0_i32 = arith.constant 0 : i32
    %c0_i32_0 = arith.constant 0 : i32
    %c0_i32_1 = arith.constant 0 : i32
    return %c0_i32, %c0_i32_0 : i32, i32
  }
  func.func @transform_16(%arg0: i32) -> (i32, i32) {
    %c0_i32 = arith.constant 0 : i32
    %c0_i32_0 = arith.constant 0 : i32
    %c0_i32_1 = arith.constant 0 : i32
    return %c0_i32, %c0_i32_0 : i32, i32
  }
  func.func @transform_17(%arg0: i32) -> (i32, i32) {
    %c0_i32 = arith.constant 0 : i32
    %c0_i32_0 = arith.constant 0 : i32
    %c0_i32_1 = arith.constant 0 : i32
    return %c0_i32, %c0_i32_0 : i32, i32
  }
  func.func @transform_18(%arg0: i32) -> (i32, i32) {
    %c0_i32 = arith.constant 0 : i32
    %c0_i32_0 = arith.constant 0 : i32
    %c0_i32_1 = arith.constant 0 : i32
    return %c0_i32, %c0_i32_0 : i32, i32
  }
  func.func @transform_19(%arg0: i32) -> (i32, i32) {
    %c0_i32 = arith.constant 0 : i32
    %c0_i32_0 = arith.constant 0 : i32
    %c0_i32_1 = arith.constant 0 : i32
    return %c0_i32, %c0_i32_0 : i32, i32
  }
  func.func @transform_20(%arg0: i32) -> (i32, i32) {
    %c0_i32 = arith.constant 0 : i32
    %c0_i32_0 = arith.constant 0 : i32
    return %arg0, %c0_i32 : i32, i32
  }
  func.func @transform_21(%arg0: i32) -> (i32, i32) {
    %c0_i32 = arith.constant 0 : i32
    %c0_i32_0 = arith.constant 0 : i32
    return %arg0, %c0_i32 : i32, i32
  }
  func.func @transform_22(%arg0: i32) -> (i32, i32) {
    %c0_i32 = arith.constant 0 : i32
    %c0_i32_0 = arith.constant 0 : i32
    return %arg0, %c0_i32 : i32, i32
  }
}

module attributes {stable_mosaic.version = 14 : i64} {
  func.func @_edge_body(%arg0: i32, %arg1: memref<2000x32xf32, #tpu.memory_space<vmem>>, %arg2: memref<2000x16xf32, #tpu.memory_space<vmem>>, %arg3: memref<256x256xf32, #tpu.memory_space<vmem>>, %arg4: memref<16x256xf32, #tpu.memory_space<vmem>>, %arg5: memref<1x256xf32, #tpu.memory_space<vmem>>, %arg6: memref<1x256xf32, #tpu.memory_space<vmem>>, %arg7: memref<1x256xf32, #tpu.memory_space<vmem>>, %arg8: memref<32x48xf32, #tpu.memory_space<vmem>>, %arg9: memref<16x48xf32, #tpu.memory_space<vmem>>, %arg10: memref<48x16xf32, #tpu.memory_space<vmem>>, %arg11: memref<48x12xf32, #tpu.memory_space<vmem>>, %arg12: memref<32x36xf32, #tpu.memory_space<vmem>>, %arg13: memref<12x36xf32, #tpu.memory_space<vmem>>, %arg14: memref<36x16xf32, #tpu.memory_space<vmem>>, %arg15: memref<16x4xf32, #tpu.memory_space<vmem>>, %arg16: memref<4x16xf32, #tpu.memory_space<vmem>>, %arg17: memref<16x256xf32, #tpu.memory_space<vmem>>, %arg18: memref<1x256xf32, #tpu.memory_space<vmem>>, %arg19: memref<2000x256xf32, #tpu.memory_space<vmem>>) attributes {dimension_semantics = [#tpu.dimension_semantics<arbitrary>], iteration_bounds = array<i64: 80>, scalar_prefetch = 0 : i64, scratch_operands = 0 : i64, tpu.core_type = #tpu.core_type<tc>, window_params = [{transform_indices = @transform_0, window_bounds = array<i64: 2000, 32>}, {transform_indices = @transform_1, window_bounds = array<i64: 2000, 16>}, {pipeline_mode = #tpu.pipeline_mode<synchronous>, transform_indices = @transform_2, window_bounds = array<i64: 256, 256>}, {pipeline_mode = #tpu.pipeline_mode<synchronous>, transform_indices = @transform_3, window_bounds = array<i64: 16, 256>}, {pipeline_mode = #tpu.pipeline_mode<synchronous>, transform_indices = @transform_4, window_bounds = array<i64: 1, 256>}, {pipeline_mode = #tpu.pipeline_mode<synchronous>, transform_indices = @transform_5, window_bounds = array<i64: 1, 256>}, {pipeline_mode = #tpu.pipeline_mode<synchronous>, transform_indices = @transform_6, window_bounds = array<i64: 1, 256>}, {pipeline_mode = #tpu.pipeline_mode<synchronous>, transform_indices = @transform_7, window_bounds = array<i64: 32, 48>}, {pipeline_mode = #tpu.pipeline_mode<synchronous>, transform_indices = @transform_8, window_bounds = array<i64: 16, 48>}, {pipeline_mode = #tpu.pipeline_mode<synchronous>, transform_indices = @transform_9, window_bounds = array<i64: 48, 16>}, {pipeline_mode = #tpu.pipeline_mode<synchronous>, transform_indices = @transform_10, window_bounds = array<i64: 48, 12>}, {pipeline_mode = #tpu.pipeline_mode<synchronous>, transform_indices = @transform_11, window_bounds = array<i64: 32, 36>}, {pipeline_mode = #tpu.pipeline_mode<synchronous>, transform_indices = @transform_12, window_bounds = array<i64: 12, 36>}, {pipeline_mode = #tpu.pipeline_mode<synchronous>, transform_indices = @transform_13, window_bounds = array<i64: 36, 16>}, {pipeline_mode = #tpu.pipeline_mode<synchronous>, transform_indices = @transform_14, window_bounds = array<i64: 16, 4>}, {pipeline_mode = #tpu.pipeline_mode<synchronous>, transform_indices = @transform_15, window_bounds = array<i64: 4, 16>}, {pipeline_mode = #tpu.pipeline_mode<synchronous>, transform_indices = @transform_16, window_bounds = array<i64: 16, 256>}, {pipeline_mode = #tpu.pipeline_mode<synchronous>, transform_indices = @transform_17, window_bounds = array<i64: 1, 256>}, {transform_indices = @transform_18, window_bounds = array<i64: 2000, 256>}]} {
    %get3A = arith.constant 0 : index
    %get3A_0 = arith.constant 0 : index
    %get3A_1 = vector.load %arg1[%get3A, %get3A_0] : memref<2000x32xf32, #tpu.memory_space<vmem>>, vector<2000x32xf32>
    %get3A_2 = arith.constant 0 : index
    %get3A_3 = arith.constant 0 : index
    %get3A_4 = vector.load %arg2[%get3A_2, %get3A_3] : memref<2000x16xf32, #tpu.memory_space<vmem>>, vector<2000x16xf32>
    %get3A_5 = arith.constant 0 : index
    %get3A_6 = arith.constant 0 : index
    %get3A_7 = vector.load %arg8[%get3A_5, %get3A_6] : memref<32x48xf32, #tpu.memory_space<vmem>>, vector<32x48xf32>
    %convert_element_type3A = arith.truncf %get3A_1 : vector<2000x32xf32> to vector<2000x32xbf16>
    %convert_element_type3A_8 = arith.extf %convert_element_type3A : vector<2000x32xbf16> to vector<2000x32xf32>
    %dot_general3A = arith.constant dense<0.000000e+00> : vector<2000x48xf32>
    %dot_general3A_9 = tpu.matmul %convert_element_type3A_8, %get3A_7, %dot_general3A {dimension_numbers = #tpu.dot_dimension_numbers<[1], [0], [0], [1], [0, 0, 1, 1], [], []>, transpose_lhs_hint = false} : vector<2000x32xf32>, vector<32x48xf32>, vector<2000x48xf32> -> vector<2000x48xf32>
    %sub3A = arith.subf %get3A_1, %convert_element_type3A_8 : vector<2000x32xf32>
    %dot_general3A_10 = arith.constant dense<0.000000e+00> : vector<2000x48xf32>
    %dot_general3A_11 = tpu.matmul %sub3A, %get3A_7, %dot_general3A_10 {dimension_numbers = #tpu.dot_dimension_numbers<[1], [0], [0], [1], [0, 0, 1, 1], [], []>, transpose_lhs_hint = false} : vector<2000x32xf32>, vector<32x48xf32>, vector<2000x48xf32> -> vector<2000x48xf32>
    %add3A = arith.addf %dot_general3A_9, %dot_general3A_11 : vector<2000x48xf32>
    %get3A_12 = arith.constant 0 : index
    %get3A_13 = arith.constant 0 : index
    %get3A_14 = vector.load %arg9[%get3A_12, %get3A_13] : memref<16x48xf32, #tpu.memory_space<vmem>>, vector<16x48xf32>
    %convert_element_type3A_15 = arith.truncf %get3A_4 : vector<2000x16xf32> to vector<2000x16xbf16>
    %convert_element_type3A_16 = arith.extf %convert_element_type3A_15 : vector<2000x16xbf16> to vector<2000x16xf32>
    %dot_general3A_17 = arith.constant dense<0.000000e+00> : vector<2000x48xf32>
    %dot_general3A_18 = tpu.matmul %convert_element_type3A_16, %get3A_14, %dot_general3A_17 {dimension_numbers = #tpu.dot_dimension_numbers<[1], [0], [0], [1], [0, 0, 1, 1], [], []>, transpose_lhs_hint = false} : vector<2000x16xf32>, vector<16x48xf32>, vector<2000x48xf32> -> vector<2000x48xf32>
    %sub3A_19 = arith.subf %get3A_4, %convert_element_type3A_16 : vector<2000x16xf32>
    %dot_general3A_20 = arith.constant dense<0.000000e+00> : vector<2000x48xf32>
    %dot_general3A_21 = tpu.matmul %sub3A_19, %get3A_14, %dot_general3A_20 {dimension_numbers = #tpu.dot_dimension_numbers<[1], [0], [0], [1], [0, 0, 1, 1], [], []>, transpose_lhs_hint = false} : vector<2000x16xf32>, vector<16x48xf32>, vector<2000x48xf32> -> vector<2000x48xf32>
    %add3A_22 = arith.addf %dot_general3A_18, %dot_general3A_21 : vector<2000x48xf32>
    %sub3A_23 = arith.subf %add3A, %add3A_22 : vector<2000x48xf32>
    %mul3A = arith.mulf %sub3A_23, %sub3A_23 : vector<2000x48xf32>
    %get3A_24 = arith.constant 0 : index
    %get3A_25 = arith.constant 0 : index
    %get3A_26 = vector.load %arg10[%get3A_24, %get3A_25] : memref<48x16xf32, #tpu.memory_space<vmem>>, vector<48x16xf32>
    %convert_element_type3A_27 = arith.truncf %mul3A : vector<2000x48xf32> to vector<2000x48xbf16>
    %convert_element_type3A_28 = arith.extf %convert_element_type3A_27 : vector<2000x48xbf16> to vector<2000x48xf32>
    %dot_general3A_29 = arith.constant dense<0.000000e+00> : vector<2000x16xf32>
    %dot_general3A_30 = tpu.matmul %convert_element_type3A_28, %get3A_26, %dot_general3A_29 {dimension_numbers = #tpu.dot_dimension_numbers<[1], [0], [0], [1], [0, 0, 1, 1], [], []>, transpose_lhs_hint = false} : vector<2000x48xf32>, vector<48x16xf32>, vector<2000x16xf32> -> vector<2000x16xf32>
    %sub3A_31 = arith.subf %mul3A, %convert_element_type3A_28 : vector<2000x48xf32>
    %dot_general3A_32 = arith.constant dense<0.000000e+00> : vector<2000x16xf32>
    %dot_general3A_33 = tpu.matmul %sub3A_31, %get3A_26, %dot_general3A_32 {dimension_numbers = #tpu.dot_dimension_numbers<[1], [0], [0], [1], [0, 0, 1, 1], [], []>, transpose_lhs_hint = false} : vector<2000x48xf32>, vector<48x16xf32>, vector<2000x16xf32> -> vector<2000x16xf32>
    %add3A_34 = arith.addf %dot_general3A_30, %dot_general3A_33 : vector<2000x16xf32>
    %add3A_35 = arith.constant 9.99999997E-7 : f32
    %add3A_36 = vector.broadcast %add3A_35 : f32 to vector<2000x16xf32>
    %add3A_37 = arith.addf %add3A_34, %add3A_36 : vector<2000x16xf32>
    %sqrt3A = math.sqrt %add3A_37 : vector<2000x16xf32>
    %get3A_38 = arith.constant 0 : index
    %get3A_39 = arith.constant 0 : index
    %get3A_40 = vector.load %arg17[%get3A_38, %get3A_39] : memref<16x256xf32, #tpu.memory_space<vmem>>, vector<16x256xf32>
    %convert_element_type3A_41 = arith.truncf %sqrt3A : vector<2000x16xf32> to vector<2000x16xbf16>
    %convert_element_type3A_42 = arith.extf %convert_element_type3A_41 : vector<2000x16xbf16> to vector<2000x16xf32>
    %dot_general3A_43 = arith.constant dense<0.000000e+00> : vector<2000x256xf32>
    %dot_general3A_44 = tpu.matmul %convert_element_type3A_42, %get3A_40, %dot_general3A_43 {dimension_numbers = #tpu.dot_dimension_numbers<[1], [0], [0], [1], [0, 0, 1, 1], [], []>, transpose_lhs_hint = false} : vector<2000x16xf32>, vector<16x256xf32>, vector<2000x256xf32> -> vector<2000x256xf32>
    %sub3A_45 = arith.subf %sqrt3A, %convert_element_type3A_42 : vector<2000x16xf32>
    %dot_general3A_46 = arith.constant dense<0.000000e+00> : vector<2000x256xf32>
    %dot_general3A_47 = tpu.matmul %sub3A_45, %get3A_40, %dot_general3A_46 {dimension_numbers = #tpu.dot_dimension_numbers<[1], [0], [0], [1], [0, 0, 1, 1], [], []>, transpose_lhs_hint = false} : vector<2000x16xf32>, vector<16x256xf32>, vector<2000x256xf32> -> vector<2000x256xf32>
    %add3A_48 = arith.addf %dot_general3A_44, %dot_general3A_47 : vector<2000x256xf32>
    %get3A_49 = arith.constant 0 : index
    %get3A_50 = arith.constant 0 : index
    %get3A_51 = vector.load %arg18[%get3A_49, %get3A_50] : memref<1x256xf32, #tpu.memory_space<vmem>>, vector<1x256xf32>
    %sub3A_52 = vector.broadcast %get3A_51 : vector<1x256xf32> to vector<2000x256xf32>
    %sub3A_53 = arith.subf %add3A_48, %sub3A_52 : vector<2000x256xf32>
    %mul3A_54 = arith.constant 8.000000e-01 : f32
    %mul3A_55 = vector.broadcast %mul3A_54 : f32 to vector<2000x256xf32>
    %mul3A_56 = arith.mulf %sub3A_53, %mul3A_55 : vector<2000x256xf32>
    %integer_pow3A = arith.mulf %mul3A_56, %mul3A_56 : vector<2000x256xf32>
    %neg3A = arith.constant 0.000000e+00 : f32
    %neg3A_57 = vector.broadcast %neg3A : f32 to vector<2000x256xf32>
    %neg3A_58 = arith.subf %neg3A_57, %integer_pow3A : vector<2000x256xf32>
    %exp3A = math.exp %neg3A_58 : vector<2000x256xf32>
    %get3A_59 = arith.constant 0 : index
    %get3A_60 = arith.constant 0 : index
    %get3A_61 = vector.load %arg11[%get3A_59, %get3A_60] : memref<48x12xf32, #tpu.memory_space<vmem>>, vector<48x12xf32>
    %dot_general3A_62 = arith.constant dense<0.000000e+00> : vector<2000x12xf32>
    %dot_general3A_63 = tpu.matmul %sub3A_23, %get3A_61, %dot_general3A_62 {dimension_numbers = #tpu.dot_dimension_numbers<[1], [0], [0], [1], [0, 0, 1, 1], [], []>, transpose_lhs_hint = false} : vector<2000x48xf32>, vector<48x12xf32>, vector<2000x12xf32> -> vector<2000x12xf32>
    %get3A_64 = arith.constant 0 : index
    %get3A_65 = arith.constant 0 : index
    %get3A_66 = vector.load %arg12[%get3A_64, %get3A_65] : memref<32x36xf32, #tpu.memory_space<vmem>>, vector<32x36xf32>
    %dot_general3A_67 = arith.constant dense<0.000000e+00> : vector<2000x36xf32>
    %dot_general3A_68 = tpu.matmul %get3A_1, %get3A_66, %dot_general3A_67 {dimension_numbers = #tpu.dot_dimension_numbers<[1], [0], [0], [1], [0, 0, 1, 1], [], []>, transpose_lhs_hint = false} : vector<2000x32xf32>, vector<32x36xf32>, vector<2000x36xf32> -> vector<2000x36xf32>
    %get3A_69 = arith.constant 0 : index
    %get3A_70 = arith.constant 0 : index
    %get3A_71 = vector.load %arg13[%get3A_69, %get3A_70] : memref<12x36xf32, #tpu.memory_space<vmem>>, vector<12x36xf32>
    %dot_general3A_72 = arith.constant dense<0.000000e+00> : vector<2000x36xf32>
    %dot_general3A_73 = tpu.matmul %dot_general3A_63, %get3A_71, %dot_general3A_72 {dimension_numbers = #tpu.dot_dimension_numbers<[1], [0], [0], [1], [0, 0, 1, 1], [], []>, transpose_lhs_hint = false} : vector<2000x12xf32>, vector<12x36xf32>, vector<2000x36xf32> -> vector<2000x36xf32>
    %mul3A_74 = arith.mulf %dot_general3A_68, %dot_general3A_73 : vector<2000x36xf32>
    %get3A_75 = arith.constant 0 : index
    %get3A_76 = arith.constant 0 : index
    %get3A_77 = vector.load %arg14[%get3A_75, %get3A_76] : memref<36x16xf32, #tpu.memory_space<vmem>>, vector<36x16xf32>
    %dot_general3A_78 = arith.constant dense<0.000000e+00> : vector<2000x16xf32>
    %dot_general3A_79 = tpu.matmul %mul3A_74, %get3A_77, %dot_general3A_78 {dimension_numbers = #tpu.dot_dimension_numbers<[1], [0], [0], [1], [0, 0, 1, 1], [], []>, transpose_lhs_hint = false} : vector<2000x36xf32>, vector<36x16xf32>, vector<2000x16xf32> -> vector<2000x16xf32>
    %mul3A_80 = arith.mulf %dot_general3A_79, %dot_general3A_79 : vector<2000x16xf32>
    %get3A_81 = arith.constant 0 : index
    %get3A_82 = arith.constant 0 : index
    %get3A_83 = vector.load %arg15[%get3A_81, %get3A_82] : memref<16x4xf32, #tpu.memory_space<vmem>>, vector<16x4xf32>
    %dot_general3A_84 = arith.constant dense<0.000000e+00> : vector<2000x4xf32>
    %dot_general3A_85 = tpu.matmul %mul3A_80, %get3A_83, %dot_general3A_84 {dimension_numbers = #tpu.dot_dimension_numbers<[1], [0], [0], [1], [0, 0, 1, 1], [], []>, transpose_lhs_hint = false} : vector<2000x16xf32>, vector<16x4xf32>, vector<2000x4xf32> -> vector<2000x4xf32>
    %sqrt3A_86 = math.sqrt %dot_general3A_85 : vector<2000x4xf32>
    %eq3A = arith.constant 0.000000e+00 : f32
    %eq3A_87 = vector.broadcast %eq3A : f32 to vector<2000x4xf32>
    %eq3A_88 = arith.cmpf oeq, %sqrt3A_86, %eq3A_87 : vector<2000x4xf32>
    %jit3A = arith.constant 1.000000e+00 : f32
    %broadcast_in_dim3A = vector.broadcast %jit3A : f32 to vector<2000x4xf32>
    %select_n3A = arith.select %eq3A_88, %broadcast_in_dim3A, %sqrt3A_86 : vector<2000x4xi1>, vector<2000x4xf32>
    %div3A = arith.constant 1.000000e+00 : f32
    %div3A_89 = vector.broadcast %div3A : f32 to vector<2000x4xf32>
    %div3A_90 = arith.divf %div3A_89, %select_n3A : vector<2000x4xf32>
    %get3A_91 = arith.constant 0 : index
    %get3A_92 = arith.constant 0 : index
    %get3A_93 = vector.load %arg16[%get3A_91, %get3A_92] : memref<4x16xf32, #tpu.memory_space<vmem>>, vector<4x16xf32>
    %dot_general3A_94 = arith.constant dense<0.000000e+00> : vector<2000x16xf32>
    %dot_general3A_95 = tpu.matmul %div3A_90, %get3A_93, %dot_general3A_94 {dimension_numbers = #tpu.dot_dimension_numbers<[1], [0], [0], [1], [0, 0, 1, 1], [], []>, transpose_lhs_hint = false} : vector<2000x4xf32>, vector<4x16xf32>, vector<2000x16xf32> -> vector<2000x16xf32>
    %mul3A_96 = arith.mulf %dot_general3A_79, %dot_general3A_95 : vector<2000x16xf32>
    %get3A_97 = arith.constant 0 : index
    %get3A_98 = arith.constant 0 : index
    %get3A_99 = vector.load %arg3[%get3A_97, %get3A_98] : memref<256x256xf32, #tpu.memory_space<vmem>>, vector<256x256xf32>
    %dot_general3A_100 = arith.constant dense<0.000000e+00> : vector<2000x256xf32>
    %dot_general3A_101 = tpu.matmul %exp3A, %get3A_99, %dot_general3A_100 {dimension_numbers = #tpu.dot_dimension_numbers<[1], [0], [0], [1], [0, 0, 1, 1], [], []>, transpose_lhs_hint = false} : vector<2000x256xf32>, vector<256x256xf32>, vector<2000x256xf32> -> vector<2000x256xf32>
    %get3A_102 = arith.constant 0 : index
    %get3A_103 = arith.constant 0 : index
    %get3A_104 = vector.load %arg4[%get3A_102, %get3A_103] : memref<16x256xf32, #tpu.memory_space<vmem>>, vector<16x256xf32>
    %dot_general3A_105 = arith.constant dense<0.000000e+00> : vector<2000x256xf32>
    %dot_general3A_106 = tpu.matmul %mul3A_96, %get3A_104, %dot_general3A_105 {dimension_numbers = #tpu.dot_dimension_numbers<[1], [0], [0], [1], [0, 0, 1, 1], [], []>, transpose_lhs_hint = false} : vector<2000x16xf32>, vector<16x256xf32>, vector<2000x256xf32> -> vector<2000x256xf32>
    %add3A_107 = arith.addf %dot_general3A_101, %dot_general3A_106 : vector<2000x256xf32>
    %get3A_108 = arith.constant 0 : index
    %get3A_109 = arith.constant 0 : index
    %get3A_110 = vector.load %arg5[%get3A_108, %get3A_109] : memref<1x256xf32, #tpu.memory_space<vmem>>, vector<1x256xf32>
    %add3A_111 = vector.broadcast %get3A_110 : vector<1x256xf32> to vector<2000x256xf32>
    %add3A_112 = arith.addf %add3A_107, %add3A_111 : vector<2000x256xf32>
    %reduce_sum3A = arith.constant dense<0.000000e+00> : vector<2000xf32>
    %reduce_sum3A_113 = vector.multi_reduction <add>, %add3A_112, %reduce_sum3A [1] : vector<2000x256xf32> to vector<2000xf32>
    %broadcast_in_dim3A_114 = vector.shape_cast %reduce_sum3A_113 : vector<2000xf32> to vector<2000x1xf32>
    %div3A_115 = arith.constant 2.560000e+02 : f32
    %div3A_116 = vector.broadcast %div3A_115 : f32 to vector<2000x1xf32>
    %div3A_117 = arith.divf %broadcast_in_dim3A_114, %div3A_116 : vector<2000x1xf32>
    %sub3A_118 = vector.broadcast %div3A_117 : vector<2000x1xf32> to vector<2000x256xf32>
    %sub3A_119 = arith.subf %add3A_112, %sub3A_118 : vector<2000x256xf32>
    %mul3A_120 = arith.mulf %sub3A_119, %sub3A_119 : vector<2000x256xf32>
    %reduce_sum3A_121 = arith.constant dense<0.000000e+00> : vector<2000xf32>
    %reduce_sum3A_122 = vector.multi_reduction <add>, %mul3A_120, %reduce_sum3A_121 [1] : vector<2000x256xf32> to vector<2000xf32>
    %broadcast_in_dim3A_123 = vector.shape_cast %reduce_sum3A_122 : vector<2000xf32> to vector<2000x1xf32>
    %mul3A_124 = arith.constant 0.00392156886 : f32
    %mul3A_125 = vector.broadcast %mul3A_124 : f32 to vector<2000x1xf32>
    %mul3A_126 = arith.mulf %broadcast_in_dim3A_123, %mul3A_125 : vector<2000x1xf32>
    %add3A_127 = arith.constant 9.99999997E-7 : f32
    %add3A_128 = vector.broadcast %add3A_127 : f32 to vector<2000x1xf32>
    %add3A_129 = arith.addf %mul3A_126, %add3A_128 : vector<2000x1xf32>
    %sqrt3A_130 = math.sqrt %add3A_129 : vector<2000x1xf32>
    %get3A_131 = arith.constant 0 : index
    %get3A_132 = arith.constant 0 : index
    %get3A_133 = vector.load %arg6[%get3A_131, %get3A_132] : memref<1x256xf32, #tpu.memory_space<vmem>>, vector<1x256xf32>
    %mul3A_134 = vector.broadcast %get3A_133 : vector<1x256xf32> to vector<2000x256xf32>
    %mul3A_135 = arith.mulf %mul3A_134, %sub3A_119 : vector<2000x256xf32>
    %add3A_136 = arith.constant 9.99999997E-7 : f32
    %add3A_137 = vector.broadcast %add3A_136 : f32 to vector<2000x1xf32>
    %add3A_138 = arith.addf %sqrt3A_130, %add3A_137 : vector<2000x1xf32>
    %div3A_139 = vector.broadcast %add3A_138 : vector<2000x1xf32> to vector<2000x256xf32>
    %div3A_140 = arith.divf %mul3A_135, %div3A_139 : vector<2000x256xf32>
    %get3A_141 = arith.constant 0 : index
    %get3A_142 = arith.constant 0 : index
    %get3A_143 = vector.load %arg7[%get3A_141, %get3A_142] : memref<1x256xf32, #tpu.memory_space<vmem>>, vector<1x256xf32>
    %add3A_144 = vector.broadcast %get3A_143 : vector<1x256xf32> to vector<2000x256xf32>
    %add3A_145 = arith.addf %div3A_140, %add3A_144 : vector<2000x256xf32>
    %swap3A = arith.constant 0 : index
    %swap3A_146 = arith.constant 0 : index
    %swap3A_147 = vector.load %arg19[%swap3A, %swap3A_146] : memref<2000x256xf32, #tpu.memory_space<vmem>>, vector<2000x256xf32>
    tpu.vector_store %arg19[%swap3A, %swap3A_146], %add3A_145 {strides = array<i32>} : memref<2000x256xf32, #tpu.memory_space<vmem>>, vector<2000x256xf32>,
    return
  }
  func.func @transform_0(%arg0: i32) -> (i32, i32) {
    %c0_i32 = arith.constant 0 : i32
    %c0_i32_0 = arith.constant 0 : i32
    return %arg0, %c0_i32 : i32, i32
  }
  func.func @transform_1(%arg0: i32) -> (i32, i32) {
    %c0_i32 = arith.constant 0 : i32
    %c0_i32_0 = arith.constant 0 : i32
    return %arg0, %c0_i32 : i32, i32
  }
  func.func @transform_2(%arg0: i32) -> (i32, i32) {
    %c0_i32 = arith.constant 0 : i32
    %c0_i32_0 = arith.constant 0 : i32
    %c0_i32_1 = arith.constant 0 : i32
    return %c0_i32, %c0_i32_0 : i32, i32
  }
  func.func @transform_3(%arg0: i32) -> (i32, i32) {
    %c0_i32 = arith.constant 0 : i32
    %c0_i32_0 = arith.constant 0 : i32
    %c0_i32_1 = arith.constant 0 : i32
    return %c0_i32, %c0_i32_0 : i32, i32
  }
  func.func @transform_4(%arg0: i32) -> (i32, i32) {
    %c0_i32 = arith.constant 0 : i32
    %c0_i32_0 = arith.constant 0 : i32
    %c0_i32_1 = arith.constant 0 : i32
    return %c0_i32, %c0_i32_0 : i32, i32
  }
  func.func @transform_5(%arg0: i32) -> (i32, i32) {
    %c0_i32 = arith.constant 0 : i32
    %c0_i32_0 = arith.constant 0 : i32
    %c0_i32_1 = arith.constant 0 : i32
    return %c0_i32, %c0_i32_0 : i32, i32
  }
  func.func @transform_6(%arg0: i32) -> (i32, i32) {
    %c0_i32 = arith.constant 0 : i32
    %c0_i32_0 = arith.constant 0 : i32
    %c0_i32_1 = arith.constant 0 : i32
    return %c0_i32, %c0_i32_0 : i32, i32
  }
  func.func @transform_7(%arg0: i32) -> (i32, i32) {
    %c0_i32 = arith.constant 0 : i32
    %c0_i32_0 = arith.constant 0 : i32
    %c0_i32_1 = arith.constant 0 : i32
    return %c0_i32, %c0_i32_0 : i32, i32
  }
  func.func @transform_8(%arg0: i32) -> (i32, i32) {
    %c0_i32 = arith.constant 0 : i32
    %c0_i32_0 = arith.constant 0 : i32
    %c0_i32_1 = arith.constant 0 : i32
    return %c0_i32, %c0_i32_0 : i32, i32
  }
  func.func @transform_9(%arg0: i32) -> (i32, i32) {
    %c0_i32 = arith.constant 0 : i32
    %c0_i32_0 = arith.constant 0 : i32
    %c0_i32_1 = arith.constant 0 : i32
    return %c0_i32, %c0_i32_0 : i32, i32
  }
  func.func @transform_10(%arg0: i32) -> (i32, i32) {
    %c0_i32 = arith.constant 0 : i32
    %c0_i32_0 = arith.constant 0 : i32
    %c0_i32_1 = arith.constant 0 : i32
    return %c0_i32, %c0_i32_0 : i32, i32
  }
  func.func @transform_11(%arg0: i32) -> (i32, i32) {
    %c0_i32 = arith.constant 0 : i32
    %c0_i32_0 = arith.constant 0 : i32
    %c0_i32_1 = arith.constant 0 : i32
    return %c0_i32, %c0_i32_0 : i32, i32
  }
  func.func @transform_12(%arg0: i32) -> (i32, i32) {
    %c0_i32 = arith.constant 0 : i32
    %c0_i32_0 = arith.constant 0 : i32
    %c0_i32_1 = arith.constant 0 : i32
    return %c0_i32, %c0_i32_0 : i32, i32
  }
  func.func @transform_13(%arg0: i32) -> (i32, i32) {
    %c0_i32 = arith.constant 0 : i32
    %c0_i32_0 = arith.constant 0 : i32
    %c0_i32_1 = arith.constant 0 : i32
    return %c0_i32, %c0_i32_0 : i32, i32
  }
  func.func @transform_14(%arg0: i32) -> (i32, i32) {
    %c0_i32 = arith.constant 0 : i32
    %c0_i32_0 = arith.constant 0 : i32
    %c0_i32_1 = arith.constant 0 : i32
    return %c0_i32, %c0_i32_0 : i32, i32
  }
  func.func @transform_15(%arg0: i32) -> (i32, i32) {
    %c0_i32 = arith.constant 0 : i32
    %c0_i32_0 = arith.constant 0 : i32
    %c0_i32_1 = arith.constant 0 : i32
    return %c0_i32, %c0_i32_0 : i32, i32
  }
  func.func @transform_16(%arg0: i32) -> (i32, i32) {
    %c0_i32 = arith.constant 0 : i32
    %c0_i32_0 = arith.constant 0 : i32
    %c0_i32_1 = arith.constant 0 : i32
    return %c0_i32, %c0_i32_0 : i32, i32
  }
  func.func @transform_17(%arg0: i32) -> (i32, i32) {
    %c0_i32 = arith.constant 0 : i32
    %c0_i32_0 = arith.constant 0 : i32
    %c0_i32_1 = arith.constant 0 : i32
    return %c0_i32, %c0_i32_0 : i32, i32
  }
  func.func @transform_18(%arg0: i32) -> (i32, i32) {
    %c0_i32 = arith.constant 0 : i32
    %c0_i32_0 = arith.constant 0 : i32
    return %arg0, %c0_i32 : i32, i32
  }
}

</mosaic_0001>

<sc_bundles>
// kernel: kernel.6.cloned.1.call-start
scs
__scs_entry_jumppad:
0x0: {  	(pc) =	sbr.rel $0x88, $3  }
0x1: {  	(tag) =	ssettag $0x0;
	lr =	simm.s32 $0x1  }
0x2: {  	[smem:$0x3F96] =	sst lr;
	_ =	strace $0xD0000000  }
0x3: {  	_ = 	snop  }
0x4: {  	_ = 	snop  }
0x5: {  	_ = 	snop  }
0x6: {  	_ = 	snop  }
0x7: {  	_ = 	snop  }
__scs_overlays_trampoline_lowered:
0x8: {  	[smem:$0x3FA5] =	sst s0  }
0x9: {  	[smem:$0x3FA6] =	sst s1  }
0xa: {  	[smem:$0x3FA7] =	sst s2  }
0xb: {  	[smem:$0x3FA8] =	sst s3  }
0xc: {  	[smem:$0x3FA9] =	sst s4  }
0xd: {  	[smem:$0x3FAA] =	sst s5  }
0xe: {  	[smem:$0x3FAB] =	sst s6  }
0xf: {  	[smem:$0x3FAC] =	sst s7  }
0x10: {  	[smem:$0x3FAD] =	sst s8  }
0x11: {  	[smem:$0x3FAE] =	sst s9;
	s0 =	simm.s32 @!p0 $0x0  }
0x12: {  	s1 =	sld [smem:$0x3F94];
	s0 =	simm.s32 @p0 $0x1  }
0x13: {  	[smem:$0x3FAF] =	sst s0;
	s0 =	simm.s32 @!p1 $0x0  }
0x14: {  	s2 =	sld [smem:$0x3F93];
	s0 =	simm.s32 @p1 $0x1  }
0x15: {  	[smem:$0x3FB0] =	sst s0;
	s0 =	simm.s32 @!p2 $0x0  }
0x16: {  	s3 =	sld [smem:$0x3FDB];
	s0 =	simm.s32 @p2 $0x1  }
0x17: {  	s4 =	simm.s32 $0x1BF5;
	[smem:$0x3FB2] =	sst s0  }
0x18: {  	s0 =	sld [smem:$0x3F95];
	_ =	swait.ge [sflag:s4], $0x0  }
0x19: {  	s7 =	sld [smem:$0x3F96]  }
0x1a: {  	s8 =	sadd.s32 $0xFFFFE003, lr  }
0x1b: {  	s9 =	sadd.s32 $0xFFFFFEF7, lr;
	s5 =	simm.s32 $0xFFFFFFFF;
	p2 =	slt.u32 s8, $0xFFFFF086  }
0x1c: {  	p1 =	slt.u32 s9, $0xF7A;
	s5 =	simm.s32 @!p2 $0x0  }
0x1d: {  	s5 =	simm.s32 @p1 $0x1;
	p0 =	seq.s32 s7, s2  }
0x1e: {  	s7 =	smul.u32 @!p0 $0xF7A, s2;
	p2 =	seq.s32 @!p0 s5, $0x0  }
0x1f: {  	s9 =	smul.u32 $0xF7A, s1;
	s8 =	simm.s32 @!p0 $0x1BF5;
	p2 =	por !p2, p0  }
0x20: {  	[sflag:s8] =	ssyncset.s32 @!p0 $0xFFFFF086;
	s6 =	sadd.s32 @!p0 s3, s7;
	s7 =	simm.s32 @!p0 $0x108  }
0x21: {  	s3 =	sadd.s32 s3, s9;
	s6 =	sadd.s32 @!p0 $0x88, s6;
	s7 =	simm.s32 @p2 $0x1082  }
0x22: {  	[simem:s7], [sflag:s8] =	dma.local @!p0 [hbm:s6], $0xF7A  }
0x23: {  	s9 =	sor.u32 $0xD0000000, s2;
	s6 =	simm.s32 $0x108;
	_ =	swait.ge @!p0 [sflag:s8], $0x0  }
0x24: {  	s3 =	sadd.s32 $0x88, s3;
	s6 =	simm.s32 @!p1 $0x1082;
	[sflag:s4] =	ssyncset.s32 $0xFFFFF086  }
0x25: {  	[simem:s6], [sflag:s4] =	dma.local [hbm:s3], $0xF7A  }
0x26: {  	[smem:$0x3F96] =	sst s1;
	(tag) =	ssettag s2;
	_ =	strace s9  }
0x27: {  	s1 =	sld [smem:$0x3FA6]  }
0x28: {  	s2 =	sld [smem:$0x3FA7]  }
0x29: {  	s4 =	sld [smem:$0x3FA9]  }
0x2a: {  	p0 =	seq.s32 s5, $0x0;
	s5 =	sld [smem:$0x3FAA]  }
0x2b: {  	s6 =	sld [smem:$0x3FAB]  }
0x2c: {  	s7 =	sld [smem:$0x3FAC]  }
0x2d: {  	s3 =	simm.s32 $0x108;
	s8 =	sld [smem:$0x3FAD]  }
0x2e: {  	s3 =	simm.s32 @!p0 $0x1082;
	s9 =	sld [smem:$0x3FAE]  }
0x2f: {  	lr =	sadd.s32 s0, s3;
	s0 =	sld [smem:$0x3FA5]  }
0x30: {  	s3 =	sld [smem:$0x3FA8]  }
0x31: {  	[smem:$0x3FB1] =	sst s10  }
0x32: {  	s10 =	sld [smem:$0x3FAF];
	_ =	sdelay $0x3  }
0x33: {  	p0 =	seq.s32 s10, $0x1;
	s10 =	sld [smem:$0x3FB1];
	_ =	sdelay $0x3  }
0x34: {  	[smem:$0x3FB1] =	sst s10  }
0x35: {  	s10 =	sld [smem:$0x3FB0];
	_ =	sdelay $0x3  }
0x36: {  	p1 =	seq.s32 s10, $0x1;
	s10 =	sld [smem:$0x3FB1];
	_ =	sdelay $0x3  }
0x37: {  	[smem:$0x3FB1] =	sst s10  }
0x38: {  	s10 =	sld [smem:$0x3FB2]  }
0x39: {  	_ = 	snop;
	(pc) =	sbr.ind lr, $3  }
0x3a: {  	_ = 	snop  }
0x3b: {  	_ = 	snop  }
0x3c: {  	p2 =	seq.s32 s10, $0x1;
	s10 =	sld [smem:$0x3FB1]  }
0x3d: {  	_ =	shalt  }
0x3e: {  	_ =	shalt  }
0x3f: {  	_ =	shalt  }
0x40: {  	_ =	shalt  }
0x41: {  	_ =	shalt  }
0x42: {  	_ =	shalt  }
0x43: {  	_ =	shalt  }
0x44: {  	_ =	shalt  }
0x45: {  	_ =	shalt  }
0x46: {  	_ =	shalt  }
0x47: {  	_ =	shalt  }
0x48: {  	_ =	shalt  }
0x49: {  	_ =	shalt  }
0x4a: {  	_ =	shalt  }
0x4b: {  	_ =	shalt  }
0x4c: {  	_ =	shalt  }
0x4d: {  	_ =	shalt  }
0x4e: {  	_ =	shalt  }
0x4f: {  	_ =	shalt  }
0x50: {  	_ =	shalt  }
0x51: {  	_ =	shalt  }
0x52: {  	_ =	shalt  }
0x53: {  	_ =	shalt  }
0x54: {  	_ =	shalt  }
0x55: {  	_ =	shalt  }
0x56: {  	_ =	shalt  }
0x57: {  	_ =	shalt  }
0x58: {  	_ =	shalt  }
0x59: {  	_ =	shalt  }
0x5a: {  	_ =	shalt  }
0x5b: {  	_ =	shalt  }
0x5c: {  	_ =	shalt  }
0x5d: {  	_ =	shalt  }
0x5e: {  	_ =	shalt  }
0x5f: {  	_ =	shalt  }
0x60: {  	_ =	shalt  }
0x61: {  	_ =	shalt  }
0x62: {  	_ =	shalt  }
0x63: {  	_ =	shalt  }
0x64: {  	_ =	shalt  }
0x65: {  	_ =	shalt  }
0x66: {  	_ =	shalt  }
0x67: {  	_ =	shalt  }
0x68: {  	_ =	shalt  }
0x69: {  	_ =	shalt  }
0x6a: {  	_ =	shalt  }
0x6b: {  	_ =	shalt  }
0x6c: {  	_ =	shalt  }
0x6d: {  	_ =	shalt  }
0x6e: {  	_ =	shalt  }
0x6f: {  	_ =	shalt  }
0x70: {  	_ =	shalt  }
0x71: {  	_ =	shalt  }
0x72: {  	_ =	shalt  }
0x73: {  	_ =	shalt  }
0x74: {  	_ =	shalt  }
0x75: {  	_ =	shalt  }
0x76: {  	_ =	shalt  }
0x77: {  	_ =	shalt  }
0x78: {  	_ =	shalt  }
0x79: {  	_ =	shalt  }
0x7a: {  	_ =	shalt  }
0x7b: {  	_ =	shalt  }
0x7c: {  	_ =	shalt  }
0x7d: {  	_ =	shalt  }
0x7e: {  	_ =	shalt  }
0x7f: {  	_ =	shalt  }
0x80: {  	_ =	shalt  }
0x81: {  	_ =	shalt  }
0x82: {  	_ =	shalt  }
0x83: {  	_ =	shalt  }
0x84: {  	_ =	shalt  }
0x85: {  	_ =	shalt  }
0x86: {  	_ =	shalt  }
0x87: {  	_ =	shalt  }
.Lfunc_end0:
.L_simem_size_0:
called_computation_lowered:
.L_overlay_start_0:
0x88: {  	s2 =	sld [smem:$0x3FD9]  }
0x89: {  	s3 =	sld [smem:$0x3FFE];
	_ =	sdelay $0x1  }
0x8a: {  	s1 =	srdreg.scid  }
0x8b: {  	s0 =	sand.u32 $0x1, s1  }
0x8c: {  	s14 =	sshll.u32 s0, $0xA;
	s2 =	sadd.s32 s3, s2  }
0x8d: {  	s2 =	sadd.s32 s2, s14  }
0x8e: {  	[smem:$0x3FBD] =	sst s2  }
0x8f: {  	_ = 	snop  }
0x90: {  	s2 =	sld [smem:$0x3FD0];
	_ =	sdelay $0x2  }
0x91: {  	s15 =	simm.s32 $0xA;
	s4 =	simm.s32 $0x10  }
0x92: {  	[smem:s4], [sflag:s15] =	dma.local [hbm:s2], $0x1  }
0x93: {  	_ =	swait.eq [sflag:s15], $0x1  }
0x94: {  	[sflag:s15] =	ssyncset.done $0x0  }
0x95: {  	s16 =	sld [smem:$0x11];
	[sflag:s15] =	ssyncadd.s32 $0xFFFFFFFF  }
0x96: {  	s17 =	sld [smem:$0x12];
	(tm) =	ssettm $0x1  }
0x97: {  	s18 =	sld [smem:$0x3FFB];
	_ =	sdelay $0x3  }
0x98: {  	_ =	strace s18  }
0x99: {  	s4 =	sld [smem:$0x3FFC];
	_ =	sdelay $0x3  }
0x9a: {  	_ =	strace s4  }
0x9b: {  	s4 =	sld [smem:$0x3FFD];
	_ =	sdelay $0x3  }
0x9c: {  	_ =	strace s4  }
0x9d: {  	_ =	strace $0x8FFFFFFF  }
0x9e: {  	s19 =	sld [smem:$0x3FDB];
	_ =	sdelay $0x1  }
0x9f: {  	s5 =	simm.s32 $_scs_section_size  }
0xa0: {  	s6 =	simm.s32 $_size__tile_overlayer_lowered;
	s7 =	simm.s32 $_tile_overlayer_lowered  }
0xa1: {  	s22 =	simm.s32 $0x1BFF;
	s21 =	sshll.u32 s7, $0x1;
	s4 =	sadd.s32 s5, s19  }
0xa2: {  	s8 =	simm.s32 $0x0;
	s20 =	sshll.u32 s6, $0x1;
	s6 =	sadd.s32 s21, s4  }
0xa3: {  	[timem:s8], [sflag:s22] =	dma.local [hbm:s6], s20  }
0xa4: {  	_ =	swait.ge [sflag:s22], s20  }
0xa5: {  	s5 =	ssub.s32 $0x0, s20;
	[sflag:s22] =	ssyncset.done $0x0  }
0xa6: {  	[sflag:s22] =	ssyncadd.s32 s5;
	_ =	sdelay $0x1  }
0xa7: {  	s23 =	simm.s32 $0x1B8B  }
0xa8: {  	_ =	swait.ge [sflag:s23], $0x1  }
0xa9: {  	[sflag:s23] =	ssyncset.done $0x0  }
0xaa: {  	s25 =	simm.s32 $0x1B8E;
	s24 =	sld [smem:$0x3FFE];
	[sflag:s23] =	ssyncadd.s32 $0xFFFFFFFF  }
0xab: {  	s26 =	simm.s32 $execute0_lowered;
	[smem:$0x3FD2] =	sst s25  }
0xac: {  	s6 =	sshll.u32 s26, $0x1;
	_ =	strace $0x80000046;
	[dreg:$0x1] =	wrdreg $0xFFFFFFFF  }
0xad: {  	s28 =	simm.s32 $_size_execute0_lowered;
	s4 =	sadd.s32 s4, s6;
	[dreg:$0x0] =	wrdreg $0x0  }
0xae: {  	s6 =	sshll.u32 s28, $0x1;
	[dreg:$0x2] =	wrdreg s4  }
0xaf: {  	[dreg:$0x3] =	wrdreg s6  }
0xb0: {  	[dreg:$0x4] =	wrdreg $0xC0  }
0xb1: {  	_ =	task [dreg:s8], $0x5FFFF  }
0xb2: {  	[dreg:$0x1] =	wrdreg $0xFFFFFFFF  }
0xb3: {  	[dreg:$0x0] =	wrdreg $0x60  }
0xb4: {  	[dreg:$0x2] =	wrdreg s17  }
0xb5: {  	[dreg:$0x3] =	wrdreg s24  }
0xb6: {  	[dreg:$0x4] =	wrdreg s16  }
0xb7: {  	[dreg:$0x5] =	wrdreg $0x9  }
0xb8: {  	_ =	task.clear_ibuf [dreg:s8], $0x6FFFF;
	_ =	strace $0x90000046  }
0xb9: {  	s29 =	simm.s32 $0x9;
	_ =	strace $0x80000048  }
0xba: {  	_ =	swait.ge [sflag:s29], $0x1  }
0xbb: {  	[sflag:s29] =	ssyncadd.s32 $0xFFFFFFFF  }
0xbc: {  	_ =	strace $0x90000048  }
0xbd: {  	_ =	sfence  }
0xbe: {  	s30 =	sld [smem:$0x0];
	_ =	sdelay $0x2  }
0xbf: {  	s31 =	sshll.u32 s1, $0xD;
	s1 =	sshrl.u32 s1, $0x2  }
0xc0: {  	s3 =	sand.u32 $0x4000, s31;
	s1 =	sadd.s32 s1, s30  }
0xc1: {  	s0 =	sor.u32 s3, s0;
	s1 =	sshll.u32 s1, $0x11  }
0xc2: {  	s0 =	sor.u32 s1, s0  }
0xc3: {  	s0 =	sadd.s32 $0x8F2B, s0  }
0xc4: {  	[sflag:s0] =	ssyncadd.remote.s32 $0x1  }
0xc5: {  	_ =	sfence.sel $0xFFFF  }
0xc6: {  	[dreg:$0x0] =	wrdreg $0xFFFFFFFF;
	(pc) =	sbr.abs _section_cstart, $3  }
0xc7: {  	[dreg:$0x1] =	wrdreg $0xFFFFFFFF  }
0xc8: {  	_ =	task.clear_ibuf [dreg:s8], $0x2FFFF;
	_ =	strace $0x9FFFFFFF  }
0xc9: {  	(tm) =	ssettm $0x7FFFFFFF  }
tec
execute0_lowered:
.L_overlay_start_1:
0x0: {  	(tag) =	ssettag $0x1  }
0x1: {  	s2 =	rddreg [dreg:$0x0]  }
0x2: {  	s5 =	rddreg [dreg:$0x1];
	s1 =	stileid.u32  }
0x3: {  	s12 =	rddreg [dreg:$0x2];
	s6 =	smul.u32 $0x500, s1  }
0x4: {  	s4 =	srdreg.scid;
	s3 =	simm.s32 $0x0;
	s7 =	smul.u32 $0x5000, s1  }
0x5: {  	s18 =	simm.s32 $0x1;
	s19 =	simm.s32 $0x200;
	s13 =	smul.u32 $0xA000, s1  }
0x6: {  	s20 =	simm.s32 $0x1200;
	s8 =	sand.u32 $0x1, s4;
	s10 =	smul.u32 $0xFFFFFFB0, s1  }
0x7: {  	s21 =	simm.s32 $0x1A00;
	s22 =	simm.s32 $0x2A00;
	s9 =	smul.u32 $0xFFFFFFD8, s8  }
0x8: {  	s23 =	simm.s32 $0x0;
	[smem:$0x7FF] =	sst s3;
	s30 =	smul.u32 $0x2800, s8  }
0x9: {  	s4 =	sadd.s32 $0x18600, s5;
	_ =	strace $0x80000047;
	s31 =	smul.u32 $0x280, s8  }
0xa: {  	s26 =	ssub.s32 $0x2, s8;
	s16 =	smul.u32 $0x5000, s8;
	s11 =	sadd.s32 s6, s5  }
0xb: {  	s7 =	sadd.s32 s7, s5;
	s14 =	sadd.s32 s13, s5;
	s29 =	sshrl.u32 s26, $0x1  }
0xc: {  	s17 =	sadd.s32 s13, s12;
	s28 =	sadd.s32 s10, s9;
	s5 =	ssub.s32 s26, s29  }
0xd: {  	s10 =	sadd.s32 s30, s7;
	s15 =	sadd.s32 s31, s11;
	s14 =	sadd.s32 s16, s14  }
0xe: {  	s6 =	sadd.s32 $0x4E2, s28;
	s5 =	smax.u32 s5, $0x1;
	s7 =	sadd.s32 $0x107C00, s10  }
0xf: {  	s8 =	sadd.s32 $0x1D600, s10;
	s9 =	sadd.s32 $0xE600, s15;
	s10 =	sadd.s32 $0x13600, s15  }
0x10: {  	s11 =	sadd.s32 $0x4600, s15;
	s12 =	sadd.s32 $0x9600, s15;
	s13 =	sadd.s32 $0x6B800, s14  }
0x11: {  	s14 =	sadd.s32 s16, s17;
	s15 =	simm.s32 $0x80;
	s6 =	smin.u32 s6, $0x28  }
0x12: {  	s16 =	simm.s32 $0x100;
	s17 =	simm.s32 $0x180;
	s6 =	sshll.u32 s6, $0x4  }
.LBB2_1:
0x13: {  	p1 =	sne.s32 s6, $0x10  }
.Ltmp0:
0x14: {  	_ = 	snop;
	(pc) =	sbr.rel @!p1 .LBB2_6-.Ltmp0, $4  }
0x15: {  	_ = 	snop  }
0x16: {  	s24 =	simm.s32 $0x10  }
0x17: {  	p0 =	por $0x0, $0x0;
	s30 =	simm.s32 $0x0;
	s26 =	smov.u32 s14  }
0x18: {  	s29 =	smov.u32 s8;
	s25 =	smov.u32 s13;
	s28 =	smov.u32 s7  }
0x19: {  	s25 =	sadd.s32 $0x0, s12  }
0x1a: {  	[tilespmem:s3], [sflag:$0x1] =	stream.linear.gather [hbm4b:s25+s3], $0x80, $0x38;
	[tilespmem:$0x3200] =	vst v63  }
0x1b: {  	s0 =	sadd.s32 $0x0, s11  }
0x1c: {  	[tilespmem:s15], [sflag:$0x1] =	stream.linear.gather [hbm4b:s0+s3], $0x80, $0x38;
	[tilespmem:$0x3200] =	vst v63  }
0x1d: {  	s26 =	sadd.s32 $0x0, s10  }
0x1e: {  	[tilespmem:s16], [sflag:$0x1] =	stream.linear.gather [hbm4b:s26+s3], $0x80, $0x38;
	[tilespmem:$0x3200] =	vst v63  }
0x1f: {  	s31 =	sadd.s32 $0x0, s9  }
0x20: {  	[tilespmem:s17], [sflag:$0x1] =	stream.linear.gather [hbm4b:s31+s3], $0x80, $0x38;
	[tilespmem:$0x3200] =	vst v63  }
0x21: {  	_ =	swait.ge [sflag:s18], $0x80  }
0x22: {  	[sflag:s18] =	ssyncset.done $0x0  }
0x23: {  	[sflag:s18] =	ssyncadd.s32 $0xFFFFFF80  }
0x24: {  	_ =	swait.ge [sflag:s18], $0x80  }
0x25: {  	[sflag:s18] =	ssyncset.done $0x0  }
0x26: {  	[sflag:s18] =	ssyncadd.s32 $0xFFFFFF80  }
0x27: {  	_ =	swait.ge [sflag:s18], $0x80  }
0x28: {  	[sflag:s18] =	ssyncset.done $0x0  }
0x29: {  	[sflag:s18] =	ssyncadd.s32 $0xFFFFFF80  }
0x2a: {  	_ =	swait.ge [sflag:s18], $0x80  }
0x2b: {  	[sflag:s18] =	ssyncset.done $0x0  }
0x2c: {  	[sflag:s18] =	ssyncadd.s32 $0xFFFFFF80  }
0x2d: {  	[tilespmem:s19], [sflag:$0x1] =	stream.indirect.gather [hbm4b:s2+s15], $0x20, s3, s15, $0xb8;
	[tilespmem:$0x3200] =	vst v63  }
0x2e: {  	_ = 	snop  }
0x2f: {  	[tilespmem:s20], [sflag:$0x1] =	stream.indirect.gather [hbm4b:s4+s15], $0x10, s15, s15, $0xb8;
	[tilespmem:$0x3200] =	vst v63  }
0x30: {  	_ = 	snop  }
0x31: {  	[tilespmem:s21], [sflag:$0x1] =	stream.indirect.gather [hbm4b:s2+s15], $0x20, s16, s15, $0xb8;
	[tilespmem:$0x3200] =	vst v63  }
0x32: {  	_ = 	snop  }
0x33: {  	[tilespmem:s22], [sflag:$0x1] =	stream.indirect.gather [hbm4b:s4+s15], $0x10, s17, s15, $0xb8;
	[tilespmem:$0x3200] =	vst v63  }
0x34: {  	_ =	swait.ge [sflag:s18], $0x1000  }
0x35: {  	[sflag:s18] =	ssyncset.done $0x0  }
0x36: {  	[sflag:s18] =	ssyncadd.s32 $0xFFFFF000  }
0x37: {  	_ =	swait.ge [sflag:s18], $0x800  }
0x38: {  	[sflag:s18] =	ssyncset.done $0x0  }
0x39: {  	[sflag:s18] =	ssyncadd.s32 $0xFFFFF800  }
0x3a: {  	_ =	swait.ge [sflag:s18], $0x1000  }
0x3b: {  	[sflag:s18] =	ssyncset.done $0x0  }
0x3c: {  	[sflag:s18] =	ssyncadd.s32 $0xFFFFF000  }
0x3d: {  	_ =	swait.ge [sflag:s18], $0x800  }
0x3e: {  	[sflag:s18] =	ssyncset.done $0x0  }
0x3f: {  	[sflag:s18] =	ssyncadd.s32 $0xFFFFF800  }
0x40: {  	[hbm4b:s14+s3] =	stream.linear.scatter [tilespmem:s19], [sflag:$0x1], $0x1000, $0x38;
	[tilespmem:$0x3200] =	vst v63  }
0x41: {  	_ = 	snop  }
0x42: {  	[hbm4b:s8+s3] =	stream.linear.scatter [tilespmem:s20], [sflag:$0x1], $0x800, $0x38;
	[tilespmem:$0x3200] =	vst v63  }
0x43: {  	_ = 	snop  }
0x44: {  	[hbm4b:s13+s3] =	stream.linear.scatter [tilespmem:s21], [sflag:$0x1], $0x1000, $0x38;
	[tilespmem:$0x3200] =	vst v63  }
0x45: {  	_ = 	snop  }
0x46: {  	[hbm4b:s7+s3] =	stream.linear.scatter [tilespmem:s22], [sflag:$0x1], $0x800, $0x38;
	[tilespmem:$0x3200] =	vst v63  }
0x47: {  	_ =	swait.ge [sflag:s18], $0x1000  }
0x48: {  	[sflag:s18] =	ssyncset.done $0x0  }
0x49: {  	[sflag:s18] =	ssyncadd.s32 $0xFFFFF000  }
0x4a: {  	_ =	swait.ge [sflag:s18], $0x800  }
0x4b: {  	[sflag:s18] =	ssyncset.done $0x0  }
0x4c: {  	p1 =	sne.s32 s6, $0x20;
	[sflag:s18] =	ssyncadd.s32 $0xFFFFF800  }
.Ltmp1:
0x4d: {  	_ =	swait.ge [sflag:s18], $0x1000;
	(pc) =	sbr.rel @!p1 .LBB2_3-.Ltmp1, $4  }
0x4e: {  	[sflag:s18] =	ssyncset.done $0x0  }
0x4f: {  	s30 =	simm.s32 $0x20;
	s28 =	sadd.s32 $0x100, s7;
	[sflag:s18] =	ssyncadd.s32 $0xFFFFF000  }
0x50: {  	s29 =	sadd.s32 $0x100, s8;
	p0 =	por $0x1, $0x1;
	_ =	swait.ge [sflag:s18], $0x800  }
0x51: {  	s25 =	sadd.s32 $0x200, s13;
	s26 =	sadd.s32 $0x200, s14;
	[sflag:s18] =	ssyncset.done $0x0  }
.LBB2_4:
0x52: {  	s31 =	sadd.s32 s24, s12  }
0x53: {  	[sflag:s18] =	ssyncadd.s32 $0xFFFFF800;
	s0 =	smov.u32 s30;
	s30 =	sadd.s32 $0x10, s30  }
0x54: {  	[tilespmem:s3], [sflag:$0x1] =	stream.linear.gather [hbm4b:s31+s3], $0x80, $0x38;
	[tilespmem:$0x3200] =	vst v63  }
0x55: {  	p1 =	sne.s32 s6, s30;
	s31 =	sadd.s32 s24, s11  }
0x56: {  	[tilespmem:s15], [sflag:$0x1] =	stream.linear.gather [hbm4b:s31+s3], $0x80, $0x38;
	[tilespmem:$0x3200] =	vst v63  }
0x57: {  	s31 =	sadd.s32 s24, s10  }
0x58: {  	[tilespmem:s16], [sflag:$0x1] =	stream.linear.gather [hbm4b:s31+s3], $0x80, $0x38;
	[tilespmem:$0x3200] =	vst v63  }
0x59: {  	s31 =	sadd.s32 s24, s9;
	s24 =	smov.u32 s0  }
0x5a: {  	[tilespmem:s17], [sflag:$0x1] =	stream.linear.gather [hbm4b:s31+s3], $0x80, $0x38;
	[tilespmem:$0x3200] =	vst v63  }
0x5b: {  	_ =	swait.ge [sflag:s18], $0x80  }
0x5c: {  	[sflag:s18] =	ssyncset.done $0x0  }
0x5d: {  	[sflag:s18] =	ssyncadd.s32 $0xFFFFFF80  }
0x5e: {  	_ =	swait.ge [sflag:s18], $0x80  }
0x5f: {  	[sflag:s18] =	ssyncset.done $0x0  }
0x60: {  	[sflag:s18] =	ssyncadd.s32 $0xFFFFFF80  }
0x61: {  	_ =	swait.ge [sflag:s18], $0x80  }
0x62: {  	[sflag:s18] =	ssyncset.done $0x0  }
0x63: {  	[sflag:s18] =	ssyncadd.s32 $0xFFFFFF80  }
0x64: {  	_ =	swait.ge [sflag:s18], $0x80  }
0x65: {  	[sflag:s18] =	ssyncset.done $0x0  }
0x66: {  	[sflag:s18] =	ssyncadd.s32 $0xFFFFFF80  }
0x67: {  	[tilespmem:s19], [sflag:$0x1] =	stream.indirect.gather [hbm4b:s2+s15], $0x20, s3, s15, $0xb8;
	[tilespmem:$0x3200] =	vst v63  }
0x68: {  	_ = 	snop  }
0x69: {  	[tilespmem:s20], [sflag:$0x1] =	stream.indirect.gather [hbm4b:s4+s15], $0x10, s15, s15, $0xb8;
	[tilespmem:$0x3200] =	vst v63  }
0x6a: {  	_ = 	snop  }
0x6b: {  	[tilespmem:s21], [sflag:$0x1] =	stream.indirect.gather [hbm4b:s2+s15], $0x20, s16, s15, $0xb8;
	[tilespmem:$0x3200] =	vst v63  }
0x6c: {  	_ = 	snop  }
0x6d: {  	[tilespmem:s22], [sflag:$0x1] =	stream.indirect.gather [hbm4b:s4+s15], $0x10, s17, s15, $0xb8;
	[tilespmem:$0x3200] =	vst v63  }
0x6e: {  	_ =	swait.ge [sflag:s18], $0x1000  }
0x6f: {  	[sflag:s18] =	ssyncset.done $0x0  }
0x70: {  	[sflag:s18] =	ssyncadd.s32 $0xFFFFF000  }
0x71: {  	_ =	swait.ge [sflag:s18], $0x800  }
0x72: {  	[sflag:s18] =	ssyncset.done $0x0  }
0x73: {  	[sflag:s18] =	ssyncadd.s32 $0xFFFFF800  }
0x74: {  	_ =	swait.ge [sflag:s18], $0x1000  }
0x75: {  	[sflag:s18] =	ssyncset.done $0x0  }
0x76: {  	[sflag:s18] =	ssyncadd.s32 $0xFFFFF000  }
0x77: {  	_ =	swait.ge [sflag:s18], $0x800  }
0x78: {  	[sflag:s18] =	ssyncset.done $0x0  }
0x79: {  	[sflag:s18] =	ssyncadd.s32 $0xFFFFF800  }
0x7a: {  	[hbm4b:s26+s3] =	stream.linear.scatter [tilespmem:s19], [sflag:$0x1], $0x1000, $0x38;
	[tilespmem:$0x3200] =	vst v63  }
0x7b: {  	_ = 	snop  }
0x7c: {  	[hbm4b:s29+s3] =	stream.linear.scatter [tilespmem:s20], [sflag:$0x1], $0x800, $0x38;
	[tilespmem:$0x3200] =	vst v63  }
0x7d: {  	_ = 	snop  }
0x7e: {  	[hbm4b:s25+s3] =	stream.linear.scatter [tilespmem:s21], [sflag:$0x1], $0x1000, $0x38;
	[tilespmem:$0x3200] =	vst v63  }
0x7f: {  	_ = 	snop  }
0x80: {  	[hbm4b:s28+s3] =	stream.linear.scatter [tilespmem:s22], [sflag:$0x1], $0x800, $0x38;
	[tilespmem:$0x3200] =	vst v63  }
0x81: {  	_ =	swait.ge [sflag:s18], $0x1000  }
0x82: {  	[sflag:s18] =	ssyncset.done $0x0  }
0x83: {  	[sflag:s18] =	ssyncadd.s32 $0xFFFFF000  }
0x84: {  	_ =	swait.ge [sflag:s18], $0x800  }
0x85: {  	[sflag:s18] =	ssyncset.done $0x0  }
0x86: {  	[sflag:s18] =	ssyncadd.s32 $0xFFFFF800  }
.Ltmp2:
0x87: {  	_ =	swait.ge [sflag:s18], $0x1000;
	(pc) =	sbr.rel @p1 .LBB2_4-.Ltmp2, $4  }
0x88: {  	[sflag:s18] =	ssyncset.done $0x0  }
0x89: {  	[sflag:s18] =	ssyncadd.s32 $0xFFFFF000  }
0x8a: {  	s26 =	sadd.s32 $0x200, s26;
	s25 =	sadd.s32 $0x200, s25;
	_ =	swait.ge [sflag:s18], $0x800  }
0x8b: {  	s29 =	sadd.s32 $0x100, s29;
	s28 =	sadd.s32 $0x100, s28;
	[sflag:s18] =	ssyncset.done $0x0  }
0x8c: {  	s30 =	smov.u32 s24  }
.LBB2_6:
0x8d: {  	s0 =	sadd.s32 s30, s12;
	[sflag:s18] =	ssyncadd.s32 @p0 $0xFFFFF800  }
0x8e: {  	[tilespmem:s3], [sflag:$0x1] =	stream.linear.gather [hbm4b:s0+s3], $0x80, $0x38;
	[tilespmem:$0x3200] =	vst v63  }
0x8f: {  	s31 =	sadd.s32 s30, s11  }
0x90: {  	[tilespmem:s15], [sflag:$0x1] =	stream.linear.gather [hbm4b:s31+s3], $0x80, $0x38;
	[tilespmem:$0x3200] =	vst v63  }
0x91: {  	s24 =	sadd.s32 s30, s10  }
0x92: {  	[tilespmem:s16], [sflag:$0x1] =	stream.linear.gather [hbm4b:s24+s3], $0x80, $0x38;
	[tilespmem:$0x3200] =	vst v63  }
0x93: {  	s31 =	sadd.s32 s30, s9  }
0x94: {  	[tilespmem:s17], [sflag:$0x1] =	stream.linear.gather [hbm4b:s31+s3], $0x80, $0x38;
	[tilespmem:$0x3200] =	vst v63  }
0x95: {  	_ =	swait.ge [sflag:s18], $0x80  }
0x96: {  	[sflag:s18] =	ssyncset.done $0x0  }
0x97: {  	[sflag:s18] =	ssyncadd.s32 $0xFFFFFF80  }
0x98: {  	_ =	swait.ge [sflag:s18], $0x80  }
0x99: {  	[sflag:s18] =	ssyncset.done $0x0  }
0x9a: {  	[sflag:s18] =	ssyncadd.s32 $0xFFFFFF80  }
0x9b: {  	_ =	swait.ge [sflag:s18], $0x80  }
0x9c: {  	[sflag:s18] =	ssyncset.done $0x0  }
0x9d: {  	[sflag:s18] =	ssyncadd.s32 $0xFFFFFF80  }
0x9e: {  	_ =	swait.ge [sflag:s18], $0x80  }
0x9f: {  	[sflag:s18] =	ssyncset.done $0x0  }
0xa0: {  	[sflag:s18] =	ssyncadd.s32 $0xFFFFFF80  }
0xa1: {  	[tilespmem:s19], [sflag:$0x1] =	stream.indirect.gather [hbm4b:s2+s15], $0x20, s3, s15, $0xb8;
	[tilespmem:$0x3200] =	vst v63  }
0xa2: {  	_ = 	snop  }
0xa3: {  	[tilespmem:s20], [sflag:$0x1] =	stream.indirect.gather [hbm4b:s4+s15], $0x10, s15, s15, $0xb8;
	[tilespmem:$0x3200] =	vst v63  }
0xa4: {  	_ = 	snop  }
0xa5: {  	[tilespmem:s21], [sflag:$0x1] =	stream.indirect.gather [hbm4b:s2+s15], $0x20, s16, s15, $0xb8;
	[tilespmem:$0x3200] =	vst v63  }
0xa6: {  	_ = 	snop  }
0xa7: {  	[tilespmem:s22], [sflag:$0x1] =	stream.indirect.gather [hbm4b:s4+s15], $0x10, s17, s15, $0xb8;
	[tilespmem:$0x3200] =	vst v63  }
0xa8: {  	_ =	swait.ge [sflag:s18], $0x1000  }
0xa9: {  	[sflag:s18] =	ssyncset.done $0x0  }
0xaa: {  	[sflag:s18] =	ssyncadd.s32 $0xFFFFF000  }
0xab: {  	_ =	swait.ge [sflag:s18], $0x800  }
0xac: {  	[sflag:s18] =	ssyncset.done $0x0  }
0xad: {  	[sflag:s18] =	ssyncadd.s32 $0xFFFFF800  }
0xae: {  	_ =	swait.ge [sflag:s18], $0x1000  }
0xaf: {  	[sflag:s18] =	ssyncset.done $0x0  }
0xb0: {  	[sflag:s18] =	ssyncadd.s32 $0xFFFFF000  }
0xb1: {  	_ =	swait.ge [sflag:s18], $0x800  }
0xb2: {  	[sflag:s18] =	ssyncset.done $0x0  }
0xb3: {  	[sflag:s18] =	ssyncadd.s32 $0xFFFFF800  }
0xb4: {  	[hbm4b:s26+s3] =	stream.linear.scatter [tilespmem:s19], [sflag:$0x1], $0x1000, $0x38;
	[tilespmem:$0x3200] =	vst v63  }
0xb5: {  	_ = 	snop  }
0xb6: {  	[hbm4b:s29+s3] =	stream.linear.scatter [tilespmem:s20], [sflag:$0x1], $0x800, $0x38;
	[tilespmem:$0x3200] =	vst v63  }
0xb7: {  	_ = 	snop  }
0xb8: {  	[hbm4b:s25+s3] =	stream.linear.scatter [tilespmem:s21], [sflag:$0x1], $0x1000, $0x38;
	[tilespmem:$0x3200] =	vst v63  }
0xb9: {  	_ = 	snop  }
0xba: {  	[hbm4b:s28+s3] =	stream.linear.scatter [tilespmem:s22], [sflag:$0x1], $0x800, $0x38;
	[tilespmem:$0x3200] =	vst v63  }
0xbb: {  	_ =	swait.ge [sflag:s18], $0x1000  }
0xbc: {  	[sflag:s18] =	ssyncset.done $0x0  }
0xbd: {  	[sflag:s18] =	ssyncadd.s32 $0xFFFFF000  }
0xbe: {  	_ =	swait.ge [sflag:s18], $0x800  }
0xbf: {  	[sflag:s18] =	ssyncset.done $0x0  }
0xc0: {  	s23 =	sadd.s32 $0x1, s23;
	[sflag:s18] =	ssyncadd.s32 $0xFFFFF800  }
0xc1: {  	p0 =	sne.s32 s23, s5;
	_ =	swait.ge [sflag:s18], $0x1000  }
.Ltmp3:
0xc2: {  	[sflag:s18] =	ssyncset.done $0x0;
	(pc) =	sbr.rel @p0 .LBB2_1-.Ltmp3, $4  }
.Ltmp4:
0xc3: {  	[sflag:s18] =	ssyncadd.s32 $0xFFFFF000;
	(pc) =	sbr.rel @!p0 .LBB2_7-.Ltmp4, $4  }
0xc4: {  	_ =	swait.ge [sflag:s18], $0x800  }
0xc5: {  	[sflag:s18] =	ssyncset.done $0x0  }
0xc6: {  	[sflag:s18] =	ssyncadd.s32 $0xFFFFF800  }
0xc7: {  	_ = 	snop  }
.LBB2_3:
.Ltmp5:
0xc8: {  	(pc) =	sbr.rel .LBB2_6-.Ltmp5, $2  }
0xc9: {  	_ =	sdelay $0x2  }
0xca: {  	s30 =	simm.s32 $0x10  }
.LBB2_7:
0xcb: {  	_ =	sfence.sel $0x180000  }
0xcc: {  	[bflag:$0x0] =	sbarrier.arrive $0xFFFF  }
0xcd: {  	_ =	strace $0x90000047  }
0xce: {  	[bflag:$0x2] =	sbarrier.arrive $0xFFFF  }
0xcf: {  	p0 =	sne.s32 s1, $0x0;
	s0 =	rddreg [dreg:$0x3]  }
0xd0: {  	s0 =	sadd.s32 @!p0 $0x100000, s0  }
0xd1: {  	[sflag:s0] =	ssyncadd.tile.s32 @!p0 $0x1;
	_ =	shalt  }
.Lfunc_end2:
_tile_overlayer_lowered:
.L_overlay_start_2:
0xd2: {  	(tag) =	ssettag $0x2  }
0xd3: {  	s0 =	rddreg [dreg:$0x0];
	s2 =	stileid.u32  }
0xd4: {  	s1 =	rddreg [dreg:$0x1];
	p0 =	sne.s32 s2, $0x0  }
0xd5: {  	s3 =	rddreg [dreg:$0x2];
	[bflag:$0x3] =	sbarrier.arrive $0xFFFF;
	s2 =	simm.s32 @!p0 $0x1C02  }
0xd6: {  	[timem:s3], [sflag:s2] =	dma.local @!p0 [hbm:s0], s1  }
0xd7: {  	s0 =	simm.s32 @!p0 $0x2  }
0xd8: {  	_ =	swait.ge @!p0 [sflag:s0], s1  }
0xd9: {  	s1 =	ssub.s32 @!p0 $0x0, s1;
	[sflag:s0] =	ssyncset.done @!p0 $0x0  }
0xda: {  	[sflag:s0] =	ssyncadd.s32 @!p0 s1  }
0xdb: {  	[bflag:$0x3] =	sbarrier.arrive $0xFFFF  }
0xdc: {  	_ =	shalt  }

</sc_bundles>
